<compile_context>
chip_gen: v7x
topology: tpu7x:2x2x1
jax: 0.10.2.dev20260603
libtpu: 0.0.44.dev20260713+nightly
codegen_flags: <defaults>
</compile_context>

<pallas_src>
import functools

import jax
import jax.numpy as jnp
from jax import lax
from jax.experimental import pallas as pl
from jax.experimental.pallas import tpu as pltpu
from jax.experimental.pallas import tpu_sc as plsc

KNN = 16
_ROWS = 512


def _topk_body(p_ref, q_ref, cols_ref, dist_ref, nbg_ref):
    b = pl.program_id(0)
    p = p_ref[0]
    q = q_ref[0]
    rows, n = p.shape[0], q.shape[1]
    d0 = p[:, 0:1] - q[0:1, :]
    d1 = p[:, 1:2] - q[1:2, :]
    d2 = p[:, 2:3] - q[2:3, :]
    dsq = d0 * d0 + d1 * d1 + d2 * d2
    cols = cols_ref[...]
    inf = jnp.float32(jnp.inf)
    bigj = jnp.float32(n)
    r0 = pl.program_id(1) * rows
    selfcol = (lax.broadcasted_iota(jnp.int32, (rows, 1), 0) + r0).astype(
        jnp.float32)
    dists = [jnp.zeros((rows, 1), jnp.float32)]
    nbs = [selfcol]
    work = jnp.where(cols == selfcol, inf, dsq)
    for k in range(1, KNN):
        m = jnp.min(work, axis=1, keepdims=True)
        j = jnp.min(jnp.where(work == m, cols, bigj), axis=1, keepdims=True)
        if k + 1 < KNN:
            work = jnp.where(cols == j, inf, work)
        dists.append(m)
        nbs.append(j)
    dist_ref[0] = jnp.concatenate(dists, axis=1)
    nbg_ref[0] = jnp.concatenate(nbs, axis=1).astype(jnp.int32) + b * n


def _topk_tc(point, point_t):
    b, n, _ = point.shape
    colsf = jnp.arange(n, dtype=jnp.float32).reshape(1, n)
    return pl.pallas_call(
        _topk_body,
        grid=(b, n // _ROWS),
        in_specs=[
            pl.BlockSpec((1, _ROWS, 3), lambda i, r: (i, r, 0)),
            pl.BlockSpec((1, 3, n), lambda i, r: (i, 0, 0)),
            pl.BlockSpec((1, n), lambda i, r: (0, 0)),
        ],
        out_specs=[
            pl.BlockSpec((1, _ROWS, KNN), lambda i, r: (i, r, 0)),
            pl.BlockSpec((1, _ROWS, KNN), lambda i, r: (i, r, 0)),
        ],
        out_shape=[
            jax.ShapeDtypeStruct((b, n, KNN), jnp.float32),
            jax.ShapeDtypeStruct((b, n, KNN), jnp.int32),
        ],
    )(point, point_t, colsf)


def _sc_gather(attr_flat, nbg_flat, idxf):
    tot = nbg_flat.shape[0]
    nrow = idxf.shape[0]
    da = attr_flat.shape[1]
    info = plsc.get_sparse_core_info()
    nw = info.num_cores * info.num_subcores
    per_w = tot // nw
    q_per_w = nrow // nw
    ch = 256
    n_ch = per_w // ch
    mesh = plsc.VectorSubcoreMesh(core_axis_name="c", subcore_axis_name="s")

    @functools.partial(
        pl.kernel,
        mesh=mesh,
        compiler_params=pltpu.CompilerParams(needs_layout_passes=False),
        out_type=[
            jax.ShapeDtypeStruct((tot, da), jnp.float32),
            jax.ShapeDtypeStruct((tot,), jnp.float32),
        ],
        scratch_types=[
            pltpu.VMEM((per_w,), jnp.int32),
            pltpu.VMEM((ch, da), jnp.float32),
            pltpu.VMEM((ch, da), jnp.float32),
            pltpu.VMEM((nrow,), jnp.float32),
            pltpu.VMEM((per_w,), jnp.float32),
            pltpu.SemaphoreType.DMA,
            pltpu.SemaphoreType.DMA,
            pltpu.SemaphoreType.DMA,
            pltpu.SemaphoreType.DMA,
            pltpu.SemaphoreType.DMA,
        ],
    )
    def k(table, nbg, idx_hbm, attr_out, idd_out,
          idx_v, r0, r1, idxf_v, idd_v, g0, g1, s0, s1, isem):
        c = lax.axis_index("c")
        s = lax.axis_index("s")
        wid = s * info.num_cores + c
        base = wid * per_w
        pltpu.sync_copy(nbg.at[pl.ds(base, per_w)], idx_v)
        icopy = pltpu.async_copy(idx_hbm, idxf_v, isem)

        bufs, gs, ss = (r0, r1), (g0, g1), (s0, s1)
        gcp = [None] * n_ch
        scp = [None] * n_ch
        for i in range(n_ch):
            bi = i % 2
            if i >= 2:
                scp[i - 2].wait()
            gcp[i] = pltpu.async_copy(
                table.at[idx_v.at[pl.ds(i * ch, ch)]], bufs[bi], gs[bi])
            if i >= 1:
                gcp[i - 1].wait()
                scp[i - 1] = pltpu.async_copy(
                    bufs[1 - bi], attr_out.at[pl.ds(base + (i - 1) * ch, ch)],
                    ss[1 - bi])
        gcp[n_ch - 1].wait()
        scp[n_ch - 1] = pltpu.async_copy(
            bufs[(n_ch - 1) % 2],
            attr_out.at[pl.ds(base + (n_ch - 1) * ch, ch)],
            ss[(n_ch - 1) % 2])

        icopy.wait()
        qbase = wid * q_per_w

        def qstep(qi, carry):
            nb16 = idx_v[pl.ds(qi * KNN, KNN)]
            vals = plsc.load_gather(idxf_v, [nb16])
            csplat = jnp.full((KNN,), qbase + qi, dtype=jnp.int32)
            cvals = plsc.load_gather(idxf_v, [csplat])
            idd_v[pl.ds(qi * KNN, KNN)] = jnp.abs(vals - cvals)
            return carry

        lax.fori_loop(0, q_per_w, qstep, 0)
        pltpu.sync_copy(idd_v, idd_out.at[pl.ds(base, per_w)])
        scp[n_ch - 2].wait()
        scp[n_ch - 1].wait()

    return k(attr_flat, nbg_flat, idxf)


def kernel(point, index, attr):
    b, n, _ = point.shape
    da = attr.shape[-1]
    point_t = jnp.transpose(point, (0, 2, 1))
    dist, nbg = _topk_tc(point, point_t)
    attr_flat = attr.reshape(b * n, da)
    nbg_flat = nbg.reshape(b * n * KNN)
    idxf = index.reshape(b * n).astype(jnp.float32)
    attr_rows, idd = _sc_gather(attr_flat, nbg_flat, idxf)
    return (
        dist.reshape(b, n, KNN, 1),
        idd.reshape(b, n, KNN, 1),
        attr_rows.reshape(b, n, KNN, da),
    )

# --- scband reference (transcript-rebuilt; emitter-appended) ---
"""Pipeline reference for scband-local-neighborhood-66460323938749 (READ-ONLY COPY).

The authoritative reference and input builder live on the scoring server;
editing this copy changes nothing except your own understanding.
"""

import jax, jax.numpy as jnp
import numpy as np

KMAX = 16


def setup_inputs(seed: int = 0) -> dict:
    key = jax.random.key(seed)
    k1, k2, k3 = jax.random.split(key, 3)
    point = jax.random.normal(k1, (4, 2048, 3), dtype=jnp.float32)
    index = jnp.sort(jax.random.randint(k2, (4, 2048, 1), 0, 10000, dtype=jnp.int64), axis=1)
    attr = jax.random.normal(k3, (4, 2048, 128), dtype=jnp.float32)
    return {"point": point, "index": index, "attr": attr}


def _distance_sq(c1, c2, ndims=3):
    D = (c1[..., 0][..., :, None] - c2[..., 0][..., None, :]) ** 2
    for n in range(1, ndims):
        D = D + (c1[..., n][..., :, None] - c2[..., n][..., None, :]) ** 2
    return D


def reference(point, index, attr):
    # self-neighborhood: first_center == second_center == point, ndims=3
    distance_square = _distance_sq(point, point, ndims=3)  # [B, N, N]
    neighbors = jnp.argsort(distance_square, axis=-1)[:, :, :KMAX]  # [B, N, K]

    # gather attributes of neighbors: attribute[i][neighbors[i], :]
    attr_nb = jax.vmap(lambda a, n: a[n])(attr, neighbors)  # [B, N, K, d]

    # 'distance' coordinate: gather squared distances of the K neighbors
    dist_nb = jnp.take_along_axis(distance_square, neighbors, axis=-1)[..., None]  # [B, N, K, 1]

    # 'index_distance' coordinate
    idx_nb = jax.vmap(lambda s, n: s[n])(index, neighbors)  # [B, N, K, 1]
    index_distance = jnp.abs((index[:, :, None, :] - idx_nb).astype(jnp.float32))  # [B, N, K, 1]

    # output = [[distance_neighbors, index_distance]] + neighbors_attributes, flattened here
    return (dist_nb, index_distance, attr_nb)

if __name__ == "__main__":
    import jax
    _d = setup_inputs()
    print(jax.jit(kernel)(*tuple(_d.values())))

</pallas_src>

<mosaic_0001>
#map = affine_map<(d0, d1) -> (0, 0)>
#map1 = affine_map<(d0, d1) -> (0)>
module attributes {stable_mosaic.version = 14 : i64} {
  func.func @k(%arg0: i32, %arg1: i32, %arg2: memref<8192x128xf32, #tpu.memory_space<hbm>>, %arg3: memref<131072xi32, #tpu.memory_space<hbm>>, %arg4: memref<8192xf32, #tpu.memory_space<hbm>>, %arg5: memref<131072x128xf32, #tpu.memory_space<hbm>>, %arg6: memref<131072xf32, #tpu.memory_space<hbm>>, %arg7: memref<4096xi32, #tpu.memory_space<vmem>>, %arg8: memref<256x128xf32, #tpu.memory_space<vmem>>, %arg9: memref<256x128xf32, #tpu.memory_space<vmem>>, %arg10: memref<8192xf32, #tpu.memory_space<vmem>>, %arg11: memref<4096xf32, #tpu.memory_space<vmem>>, %arg12: memref<!tpu.dma_semaphore, #tpu.memory_space<semaphore_mem>>, %arg13: memref<!tpu.dma_semaphore, #tpu.memory_space<semaphore_mem>>, %arg14: memref<!tpu.dma_semaphore, #tpu.memory_space<semaphore_mem>>, %arg15: memref<!tpu.dma_semaphore, #tpu.memory_space<semaphore_mem>>, %arg16: memref<!tpu.dma_semaphore, #tpu.memory_space<semaphore_mem>>) attributes {dimension_semantics = [#tpu.dimension_semantics<core_parallel>, #tpu.dimension_semantics<subcore_parallel>], iteration_bounds = array<i64: 2, 16>, scalar_prefetch = 0 : i64, scratch_operands = 10 : i64, tpu.core_type = #tpu.core_type<sc_vector_subcore>, window_params = [{transform_indices = #map}, {transform_indices = #map1}, {transform_indices = #map1}, {transform_indices = #map}, {transform_indices = #map1}]} {
    %mul3A = arith.constant 2 : i32
    %mul3A_0 = arith.muli %arg1, %mul3A : i32
    %add3A = arith.addi %mul3A_0, %arg0 : i32
    %mul3A_1 = arith.constant 4096 : i32
    %mul3A_2 = arith.muli %add3A, %mul3A_1 : i32
    "tpu.region"() ({
      %run_scoped3A = tpu.sem_alloc : memref<!tpu.dma_semaphore, #tpu.memory_space<semaphore_mem>>
      %dma_start3A_328 = tpu.memref_slice %arg3[%mul3A_2] : memref<131072xi32, #tpu.memory_space<hbm>> -> memref<4096xi32, #tpu.memory_space<hbm>>
      %dma_start3A_329 = tpu.memref_slice %arg3[%mul3A_2] : memref<131072xi32, #tpu.memory_space<hbm>> -> memref<4096xi32, #tpu.memory_space<hbm>>
      tpu.enqueue_dma source(%dma_start3A_329 : memref<4096xi32, #tpu.memory_space<hbm>>) target(%arg7 : memref<4096xi32, #tpu.memory_space<vmem>>) target_semaphore(%run_scoped3A : memref<!tpu.dma_semaphore, #tpu.memory_space<semaphore_mem>>)
      %dma_wait3A_330 = tpu.memref_slice %arg3[%mul3A_2] : memref<131072xi32, #tpu.memory_space<hbm>> -> memref<4096xi32, #tpu.memory_space<hbm>>
      %dma_wait3A_331 = tpu.memref_slice %arg3[%mul3A_2] : memref<131072xi32, #tpu.memory_space<hbm>> -> memref<4096xi32, #tpu.memory_space<hbm>>
      tpu.wait_dma2 semaphore(%run_scoped3A : memref<!tpu.dma_semaphore, #tpu.memory_space<semaphore_mem>>) src(%dma_wait3A_331 : memref<4096xi32, #tpu.memory_space<hbm>>) dst(%arg7 : memref<4096xi32, #tpu.memory_space<vmem>>)
      tpu.yield
    }) : () -> ()
    tpu.enqueue_dma source(%arg4 : memref<8192xf32, #tpu.memory_space<hbm>>) target(%arg10 : memref<8192xf32, #tpu.memory_space<vmem>>) target_semaphore(%arg16 : memref<!tpu.dma_semaphore, #tpu.memory_space<semaphore_mem>>)
    %dma_start3A = arith.constant 0 : i32
    %dma_start3A_3 = tpu.memref_slice %arg7[%dma_start3A] : memref<4096xi32, #tpu.memory_space<vmem>> -> memref<256xi32, #tpu.memory_space<vmem>>
    %dma_start3A_4 = arith.constant 0 : i32
    %dma_start3A_5 = arith.constant 0 : i32
    %dma_start3A_6 = tpu.memref_slice %arg2[%dma_start3A_4, %dma_start3A_5] : memref<8192x128xf32, #tpu.memory_space<hbm>> -> memref<8192x128xf32, #tpu.memory_space<hbm>>
    tpu.enqueue_indirect_dma source(%dma_start3A_6 : memref<8192x128xf32, #tpu.memory_space<hbm>>) target(%arg8 : memref<256x128xf32, #tpu.memory_space<vmem>>) offsets(%dma_start3A_3 : memref<256xi32, #tpu.memory_space<vmem>>) semaphore(%arg12 : memref<!tpu.dma_semaphore, #tpu.memory_space<semaphore_mem>>)
    %dma_start3A_7 = arith.constant 256 : i32
    %dma_start3A_8 = tpu.memref_slice %arg7[%dma_start3A_7] : memref<4096xi32, #tpu.memory_space<vmem>> -> memref<256xi32, #tpu.memory_space<vmem>>
    %dma_start3A_9 = arith.constant 0 : i32
    %dma_start3A_10 = arith.constant 0 : i32
    %dma_start3A_11 = tpu.memref_slice %arg2[%dma_start3A_9, %dma_start3A_10] : memref<8192x128xf32, #tpu.memory_space<hbm>> -> memref<8192x128xf32, #tpu.memory_space<hbm>>
    tpu.enqueue_indirect_dma source(%dma_start3A_11 : memref<8192x128xf32, #tpu.memory_space<hbm>>) target(%arg9 : memref<256x128xf32, #tpu.memory_space<vmem>>) offsets(%dma_start3A_8 : memref<256xi32, #tpu.memory_space<vmem>>) semaphore(%arg13 : memref<!tpu.dma_semaphore, #tpu.memory_space<semaphore_mem>>)
    %dma_wait3A = arith.constant 0 : i32
    %dma_wait3A_12 = tpu.memref_slice %arg7[%dma_wait3A] : memref<4096xi32, #tpu.memory_space<vmem>> -> memref<256xi32, #tpu.memory_space<vmem>>
    %dma_wait3A_13 = arith.constant 0 : i32
    %dma_wait3A_14 = arith.constant 0 : i32
    %dma_wait3A_15 = tpu.memref_slice %arg2[%dma_wait3A_13, %dma_wait3A_14] : memref<8192x128xf32, #tpu.memory_space<hbm>> -> memref<8192x128xf32, #tpu.memory_space<hbm>>
    tpu.wait_indirect_dma semaphore(%arg12 : memref<!tpu.dma_semaphore, #tpu.memory_space<semaphore_mem>>) src(%dma_wait3A_15 : memref<8192x128xf32, #tpu.memory_space<hbm>>) dst(%arg8 : memref<256x128xf32, #tpu.memory_space<vmem>>)
    %add3A_16 = arith.constant 0 : i32
    %add3A_17 = arith.addi %mul3A_2, %add3A_16 : i32
    %dma_start3A_18 = arith.constant 0 : i32
    %dma_start3A_19 = tpu.memref_slice %arg5[%add3A_17, %dma_start3A_18] : memref<131072x128xf32, #tpu.memory_space<hbm>> -> memref<256x128xf32, #tpu.memory_space<hbm>>
    %dma_start3A_20 = arith.constant 0 : i32
    %dma_start3A_21 = tpu.memref_slice %arg5[%add3A_17, %dma_start3A_20] : memref<131072x128xf32, #tpu.memory_space<hbm>> -> memref<256x128xf32, #tpu.memory_space<hbm>>
    tpu.enqueue_dma source(%arg8 : memref<256x128xf32, #tpu.memory_space<vmem>>) target(%dma_start3A_21 : memref<256x128xf32, #tpu.memory_space<hbm>>) target_semaphore(%arg14 : memref<!tpu.dma_semaphore, #tpu.memory_space<semaphore_mem>>)
    %dma_wait3A_22 = arith.constant 0 : i32
    %dma_wait3A_23 = tpu.memref_slice %arg5[%add3A_17, %dma_wait3A_22] : memref<131072x128xf32, #tpu.memory_space<hbm>> -> memref<256x128xf32, #tpu.memory_space<hbm>>
    %dma_wait3A_24 = arith.constant 0 : i32
    %dma_wait3A_25 = tpu.memref_slice %arg5[%add3A_17, %dma_wait3A_24] : memref<131072x128xf32, #tpu.memory_space<hbm>> -> memref<256x128xf32, #tpu.memory_space<hbm>>
    tpu.wait_dma2 semaphore(%arg14 : memref<!tpu.dma_semaphore, #tpu.memory_space<semaphore_mem>>) src(%arg8 : memref<256x128xf32, #tpu.memory_space<vmem>>) dst(%dma_wait3A_25 : memref<256x128xf32, #tpu.memory_space<hbm>>)
    %dma_start3A_26 = arith.constant 512 : i32
    %dma_start3A_27 = tpu.memref_slice %arg7[%dma_start3A_26] : memref<4096xi32, #tpu.memory_space<vmem>> -> memref<256xi32, #tpu.memory_space<vmem>>
    %dma_start3A_28 = arith.constant 0 : i32
    %dma_start3A_29 = arith.constant 0 : i32
    %dma_start3A_30 = tpu.memref_slice %arg2[%dma_start3A_28, %dma_start3A_29] : memref<8192x128xf32, #tpu.memory_space<hbm>> -> memref<8192x128xf32, #tpu.memory_space<hbm>>
    tpu.enqueue_indirect_dma source(%dma_start3A_30 : memref<8192x128xf32, #tpu.memory_space<hbm>>) target(%arg8 : memref<256x128xf32, #tpu.memory_space<vmem>>) offsets(%dma_start3A_27 : memref<256xi32, #tpu.memory_space<vmem>>) semaphore(%arg12 : memref<!tpu.dma_semaphore, #tpu.memory_space<semaphore_mem>>)
    %dma_wait3A_31 = arith.constant 256 : i32
    %dma_wait3A_32 = tpu.memref_slice %arg7[%dma_wait3A_31] : memref<4096xi32, #tpu.memory_space<vmem>> -> memref<256xi32, #tpu.memory_space<vmem>>
    %dma_wait3A_33 = arith.constant 0 : i32
    %dma_wait3A_34 = arith.constant 0 : i32
    %dma_wait3A_35 = tpu.memref_slice %arg2[%dma_wait3A_33, %dma_wait3A_34] : memref<8192x128xf32, #tpu.memory_space<hbm>> -> memref<8192x128xf32, #tpu.memory_space<hbm>>
    tpu.wait_indirect_dma semaphore(%arg13 : memref<!tpu.dma_semaphore, #tpu.memory_space<semaphore_mem>>) src(%dma_wait3A_35 : memref<8192x128xf32, #tpu.memory_space<hbm>>) dst(%arg9 : memref<256x128xf32, #tpu.memory_space<vmem>>)
    %add3A_36 = arith.constant 256 : i32
    %add3A_37 = arith.addi %mul3A_2, %add3A_36 : i32
    %dma_start3A_38 = arith.constant 0 : i32
    %dma_start3A_39 = tpu.memref_slice %arg5[%add3A_37, %dma_start3A_38] : memref<131072x128xf32, #tpu.memory_space<hbm>> -> memref<256x128xf32, #tpu.memory_space<hbm>>
    %dma_start3A_40 = arith.constant 0 : i32
    %dma_start3A_41 = tpu.memref_slice %arg5[%add3A_37, %dma_start3A_40] : memref<131072x128xf32, #tpu.memory_space<hbm>> -> memref<256x128xf32, #tpu.memory_space<hbm>>
    tpu.enqueue_dma source(%arg9 : memref<256x128xf32, #tpu.memory_space<vmem>>) target(%dma_start3A_41 : memref<256x128xf32, #tpu.memory_space<hbm>>) target_semaphore(%arg15 : memref<!tpu.dma_semaphore, #tpu.memory_space<semaphore_mem>>)
    %dma_wait3A_42 = arith.constant 0 : i32
    %dma_wait3A_43 = tpu.memref_slice %arg5[%add3A_37, %dma_wait3A_42] : memref<131072x128xf32, #tpu.memory_space<hbm>> -> memref<256x128xf32, #tpu.memory_space<hbm>>
    %dma_wait3A_44 = arith.constant 0 : i32
    %dma_wait3A_45 = tpu.memref_slice %arg5[%add3A_37, %dma_wait3A_44] : memref<131072x128xf32, #tpu.memory_space<hbm>> -> memref<256x128xf32, #tpu.memory_space<hbm>>
    tpu.wait_dma2 semaphore(%arg15 : memref<!tpu.dma_semaphore, #tpu.memory_space<semaphore_mem>>) src(%arg9 : memref<256x128xf32, #tpu.memory_space<vmem>>) dst(%dma_wait3A_45 : memref<256x128xf32, #tpu.memory_space<hbm>>)
    %dma_start3A_46 = arith.constant 768 : i32
    %dma_start3A_47 = tpu.memref_slice %arg7[%dma_start3A_46] : memref<4096xi32, #tpu.memory_space<vmem>> -> memref<256xi32, #tpu.memory_space<vmem>>
    %dma_start3A_48 = arith.constant 0 : i32
    %dma_start3A_49 = arith.constant 0 : i32
    %dma_start3A_50 = tpu.memref_slice %arg2[%dma_start3A_48, %dma_start3A_49] : memref<8192x128xf32, #tpu.memory_space<hbm>> -> memref<8192x128xf32, #tpu.memory_space<hbm>>
    tpu.enqueue_indirect_dma source(%dma_start3A_50 : memref<8192x128xf32, #tpu.memory_space<hbm>>) target(%arg9 : memref<256x128xf32, #tpu.memory_space<vmem>>) offsets(%dma_start3A_47 : memref<256xi32, #tpu.memory_space<vmem>>) semaphore(%arg13 : memref<!tpu.dma_semaphore, #tpu.memory_space<semaphore_mem>>)
    %dma_wait3A_51 = arith.constant 512 : i32
    %dma_wait3A_52 = tpu.memref_slice %arg7[%dma_wait3A_51] : memref<4096xi32, #tpu.memory_space<vmem>> -> memref<256xi32, #tpu.memory_space<vmem>>
    %dma_wait3A_53 = arith.constant 0 : i32
    %dma_wait3A_54 = arith.constant 0 : i32
    %dma_wait3A_55 = tpu.memref_slice %arg2[%dma_wait3A_53, %dma_wait3A_54] : memref<8192x128xf32, #tpu.memory_space<hbm>> -> memref<8192x128xf32, #tpu.memory_space<hbm>>
    tpu.wait_indirect_dma semaphore(%arg12 : memref<!tpu.dma_semaphore, #tpu.memory_space<semaphore_mem>>) src(%dma_wait3A_55 : memref<8192x128xf32, #tpu.memory_space<hbm>>) dst(%arg8 : memref<256x128xf32, #tpu.memory_space<vmem>>)
    %add3A_56 = arith.constant 512 : i32
    %add3A_57 = arith.addi %mul3A_2, %add3A_56 : i32
    %dma_start3A_58 = arith.constant 0 : i32
    %dma_start3A_59 = tpu.memref_slice %arg5[%add3A_57, %dma_start3A_58] : memref<131072x128xf32, #tpu.memory_space<hbm>> -> memref<256x128xf32, #tpu.memory_space<hbm>>
    %dma_start3A_60 = arith.constant 0 : i32
    %dma_start3A_61 = tpu.memref_slice %arg5[%add3A_57, %dma_start3A_60] : memref<131072x128xf32, #tpu.memory_space<hbm>> -> memref<256x128xf32, #tpu.memory_space<hbm>>
    tpu.enqueue_dma source(%arg8 : memref<256x128xf32, #tpu.memory_space<vmem>>) target(%dma_start3A_61 : memref<256x128xf32, #tpu.memory_space<hbm>>) target_semaphore(%arg14 : memref<!tpu.dma_semaphore, #tpu.memory_space<semaphore_mem>>)
    %dma_wait3A_62 = arith.constant 0 : i32
    %dma_wait3A_63 = tpu.memref_slice %arg5[%add3A_57, %dma_wait3A_62] : memref<131072x128xf32, #tpu.memory_space<hbm>> -> memref<256x128xf32, #tpu.memory_space<hbm>>
    %dma_wait3A_64 = arith.constant 0 : i32
    %dma_wait3A_65 = tpu.memref_slice %arg5[%add3A_57, %dma_wait3A_64] : memref<131072x128xf32, #tpu.memory_space<hbm>> -> memref<256x128xf32, #tpu.memory_space<hbm>>
    tpu.wait_dma2 semaphore(%arg14 : memref<!tpu.dma_semaphore, #tpu.memory_space<semaphore_mem>>) src(%arg8 : memref<256x128xf32, #tpu.memory_space<vmem>>) dst(%dma_wait3A_65 : memref<256x128xf32, #tpu.memory_space<hbm>>)
    %dma_start3A_66 = arith.constant 1024 : i32
    %dma_start3A_67 = tpu.memref_slice %arg7[%dma_start3A_66] : memref<4096xi32, #tpu.memory_space<vmem>> -> memref<256xi32, #tpu.memory_space<vmem>>
    %dma_start3A_68 = arith.constant 0 : i32
    %dma_start3A_69 = arith.constant 0 : i32
    %dma_start3A_70 = tpu.memref_slice %arg2[%dma_start3A_68, %dma_start3A_69] : memref<8192x128xf32, #tpu.memory_space<hbm>> -> memref<8192x128xf32, #tpu.memory_space<hbm>>
    tpu.enqueue_indirect_dma source(%dma_start3A_70 : memref<8192x128xf32, #tpu.memory_space<hbm>>) target(%arg8 : memref<256x128xf32, #tpu.memory_space<vmem>>) offsets(%dma_start3A_67 : memref<256xi32, #tpu.memory_space<vmem>>) semaphore(%arg12 : memref<!tpu.dma_semaphore, #tpu.memory_space<semaphore_mem>>)
    %dma_wait3A_71 = arith.constant 768 : i32
    %dma_wait3A_72 = tpu.memref_slice %arg7[%dma_wait3A_71] : memref<4096xi32, #tpu.memory_space<vmem>> -> memref<256xi32, #tpu.memory_space<vmem>>
    %dma_wait3A_73 = arith.constant 0 : i32
    %dma_wait3A_74 = arith.constant 0 : i32
    %dma_wait3A_75 = tpu.memref_slice %arg2[%dma_wait3A_73, %dma_wait3A_74] : memref<8192x128xf32, #tpu.memory_space<hbm>> -> memref<8192x128xf32, #tpu.memory_space<hbm>>
    tpu.wait_indirect_dma semaphore(%arg13 : memref<!tpu.dma_semaphore, #tpu.memory_space<semaphore_mem>>) src(%dma_wait3A_75 : memref<8192x128xf32, #tpu.memory_space<hbm>>) dst(%arg9 : memref<256x128xf32, #tpu.memory_space<vmem>>)
    %add3A_76 = arith.constant 768 : i32
    %add3A_77 = arith.addi %mul3A_2, %add3A_76 : i32
    %dma_start3A_78 = arith.constant 0 : i32
    %dma_start3A_79 = tpu.memref_slice %arg5[%add3A_77, %dma_start3A_78] : memref<131072x128xf32, #tpu.memory_space<hbm>> -> memref<256x128xf32, #tpu.memory_space<hbm>>
    %dma_start3A_80 = arith.constant 0 : i32
    %dma_start3A_81 = tpu.memref_slice %arg5[%add3A_77, %dma_start3A_80] : memref<131072x128xf32, #tpu.memory_space<hbm>> -> memref<256x128xf32, #tpu.memory_space<hbm>>
    tpu.enqueue_dma source(%arg9 : memref<256x128xf32, #tpu.memory_space<vmem>>) target(%dma_start3A_81 : memref<256x128xf32, #tpu.memory_space<hbm>>) target_semaphore(%arg15 : memref<!tpu.dma_semaphore, #tpu.memory_space<semaphore_mem>>)
    %dma_wait3A_82 = arith.constant 0 : i32
    %dma_wait3A_83 = tpu.memref_slice %arg5[%add3A_77, %dma_wait3A_82] : memref<131072x128xf32, #tpu.memory_space<hbm>> -> memref<256x128xf32, #tpu.memory_space<hbm>>
    %dma_wait3A_84 = arith.constant 0 : i32
    %dma_wait3A_85 = tpu.memref_slice %arg5[%add3A_77, %dma_wait3A_84] : memref<131072x128xf32, #tpu.memory_space<hbm>> -> memref<256x128xf32, #tpu.memory_space<hbm>>
    tpu.wait_dma2 semaphore(%arg15 : memref<!tpu.dma_semaphore, #tpu.memory_space<semaphore_mem>>) src(%arg9 : memref<256x128xf32, #tpu.memory_space<vmem>>) dst(%dma_wait3A_85 : memref<256x128xf32, #tpu.memory_space<hbm>>)
    %dma_start3A_86 = arith.constant 1280 : i32
    %dma_start3A_87 = tpu.memref_slice %arg7[%dma_start3A_86] : memref<4096xi32, #tpu.memory_space<vmem>> -> memref<256xi32, #tpu.memory_space<vmem>>
    %dma_start3A_88 = arith.constant 0 : i32
    %dma_start3A_89 = arith.constant 0 : i32
    %dma_start3A_90 = tpu.memref_slice %arg2[%dma_start3A_88, %dma_start3A_89] : memref<8192x128xf32, #tpu.memory_space<hbm>> -> memref<8192x128xf32, #tpu.memory_space<hbm>>
    tpu.enqueue_indirect_dma source(%dma_start3A_90 : memref<8192x128xf32, #tpu.memory_space<hbm>>) target(%arg9 : memref<256x128xf32, #tpu.memory_space<vmem>>) offsets(%dma_start3A_87 : memref<256xi32, #tpu.memory_space<vmem>>) semaphore(%arg13 : memref<!tpu.dma_semaphore, #tpu.memory_space<semaphore_mem>>)
    %dma_wait3A_91 = arith.constant 1024 : i32
    %dma_wait3A_92 = tpu.memref_slice %arg7[%dma_wait3A_91] : memref<4096xi32, #tpu.memory_space<vmem>> -> memref<256xi32, #tpu.memory_space<vmem>>
    %dma_wait3A_93 = arith.constant 0 : i32
    %dma_wait3A_94 = arith.constant 0 : i32
    %dma_wait3A_95 = tpu.memref_slice %arg2[%dma_wait3A_93, %dma_wait3A_94] : memref<8192x128xf32, #tpu.memory_space<hbm>> -> memref<8192x128xf32, #tpu.memory_space<hbm>>
    tpu.wait_indirect_dma semaphore(%arg12 : memref<!tpu.dma_semaphore, #tpu.memory_space<semaphore_mem>>) src(%dma_wait3A_95 : memref<8192x128xf32, #tpu.memory_space<hbm>>) dst(%arg8 : memref<256x128xf32, #tpu.memory_space<vmem>>)
    %add3A_96 = arith.constant 1024 : i32
    %add3A_97 = arith.addi %mul3A_2, %add3A_96 : i32
    %dma_start3A_98 = arith.constant 0 : i32
    %dma_start3A_99 = tpu.memref_slice %arg5[%add3A_97, %dma_start3A_98] : memref<131072x128xf32, #tpu.memory_space<hbm>> -> memref<256x128xf32, #tpu.memory_space<hbm>>
    %dma_start3A_100 = arith.constant 0 : i32
    %dma_start3A_101 = tpu.memref_slice %arg5[%add3A_97, %dma_start3A_100] : memref<131072x128xf32, #tpu.memory_space<hbm>> -> memref<256x128xf32, #tpu.memory_space<hbm>>
    tpu.enqueue_dma source(%arg8 : memref<256x128xf32, #tpu.memory_space<vmem>>) target(%dma_start3A_101 : memref<256x128xf32, #tpu.memory_space<hbm>>) target_semaphore(%arg14 : memref<!tpu.dma_semaphore, #tpu.memory_space<semaphore_mem>>)
    %dma_wait3A_102 = arith.constant 0 : i32
    %dma_wait3A_103 = tpu.memref_slice %arg5[%add3A_97, %dma_wait3A_102] : memref<131072x128xf32, #tpu.memory_space<hbm>> -> memref<256x128xf32, #tpu.memory_space<hbm>>
    %dma_wait3A_104 = arith.constant 0 : i32
    %dma_wait3A_105 = tpu.memref_slice %arg5[%add3A_97, %dma_wait3A_104] : memref<131072x128xf32, #tpu.memory_space<hbm>> -> memref<256x128xf32, #tpu.memory_space<hbm>>
    tpu.wait_dma2 semaphore(%arg14 : memref<!tpu.dma_semaphore, #tpu.memory_space<semaphore_mem>>) src(%arg8 : memref<256x128xf32, #tpu.memory_space<vmem>>) dst(%dma_wait3A_105 : memref<256x128xf32, #tpu.memory_space<hbm>>)
    %dma_start3A_106 = arith.constant 1536 : i32
    %dma_start3A_107 = tpu.memref_slice %arg7[%dma_start3A_106] : memref<4096xi32, #tpu.memory_space<vmem>> -> memref<256xi32, #tpu.memory_space<vmem>>
    %dma_start3A_108 = arith.constant 0 : i32
    %dma_start3A_109 = arith.constant 0 : i32
    %dma_start3A_110 = tpu.memref_slice %arg2[%dma_start3A_108, %dma_start3A_109] : memref<8192x128xf32, #tpu.memory_space<hbm>> -> memref<8192x128xf32, #tpu.memory_space<hbm>>
    tpu.enqueue_indirect_dma source(%dma_start3A_110 : memref<8192x128xf32, #tpu.memory_space<hbm>>) target(%arg8 : memref<256x128xf32, #tpu.memory_space<vmem>>) offsets(%dma_start3A_107 : memref<256xi32, #tpu.memory_space<vmem>>) semaphore(%arg12 : memref<!tpu.dma_semaphore, #tpu.memory_space<semaphore_mem>>)
    %dma_wait3A_111 = arith.constant 1280 : i32
    %dma_wait3A_112 = tpu.memref_slice %arg7[%dma_wait3A_111] : memref<4096xi32, #tpu.memory_space<vmem>> -> memref<256xi32, #tpu.memory_space<vmem>>
    %dma_wait3A_113 = arith.constant 0 : i32
    %dma_wait3A_114 = arith.constant 0 : i32
    %dma_wait3A_115 = tpu.memref_slice %arg2[%dma_wait3A_113, %dma_wait3A_114] : memref<8192x128xf32, #tpu.memory_space<hbm>> -> memref<8192x128xf32, #tpu.memory_space<hbm>>
    tpu.wait_indirect_dma semaphore(%arg13 : memref<!tpu.dma_semaphore, #tpu.memory_space<semaphore_mem>>) src(%dma_wait3A_115 : memref<8192x128xf32, #tpu.memory_space<hbm>>) dst(%arg9 : memref<256x128xf32, #tpu.memory_space<vmem>>)
    %add3A_116 = arith.constant 1280 : i32
    %add3A_117 = arith.addi %mul3A_2, %add3A_116 : i32
    %dma_start3A_118 = arith.constant 0 : i32
    %dma_start3A_119 = tpu.memref_slice %arg5[%add3A_117, %dma_start3A_118] : memref<131072x128xf32, #tpu.memory_space<hbm>> -> memref<256x128xf32, #tpu.memory_space<hbm>>
    %dma_start3A_120 = arith.constant 0 : i32
    %dma_start3A_121 = tpu.memref_slice %arg5[%add3A_117, %dma_start3A_120] : memref<131072x128xf32, #tpu.memory_space<hbm>> -> memref<256x128xf32, #tpu.memory_space<hbm>>
    tpu.enqueue_dma source(%arg9 : memref<256x128xf32, #tpu.memory_space<vmem>>) target(%dma_start3A_121 : memref<256x128xf32, #tpu.memory_space<hbm>>) target_semaphore(%arg15 : memref<!tpu.dma_semaphore, #tpu.memory_space<semaphore_mem>>)
    %dma_wait3A_122 = arith.constant 0 : i32
    %dma_wait3A_123 = tpu.memref_slice %arg5[%add3A_117, %dma_wait3A_122] : memref<131072x128xf32, #tpu.memory_space<hbm>> -> memref<256x128xf32, #tpu.memory_space<hbm>>
    %dma_wait3A_124 = arith.constant 0 : i32
    %dma_wait3A_125 = tpu.memref_slice %arg5[%add3A_117, %dma_wait3A_124] : memref<131072x128xf32, #tpu.memory_space<hbm>> -> memref<256x128xf32, #tpu.memory_space<hbm>>
    tpu.wait_dma2 semaphore(%arg15 : memref<!tpu.dma_semaphore, #tpu.memory_space<semaphore_mem>>) src(%arg9 : memref<256x128xf32, #tpu.memory_space<vmem>>) dst(%dma_wait3A_125 : memref<256x128xf32, #tpu.memory_space<hbm>>)
    %dma_start3A_126 = arith.constant 1792 : i32
    %dma_start3A_127 = tpu.memref_slice %arg7[%dma_start3A_126] : memref<4096xi32, #tpu.memory_space<vmem>> -> memref<256xi32, #tpu.memory_space<vmem>>
    %dma_start3A_128 = arith.constant 0 : i32
    %dma_start3A_129 = arith.constant 0 : i32
    %dma_start3A_130 = tpu.memref_slice %arg2[%dma_start3A_128, %dma_start3A_129] : memref<8192x128xf32, #tpu.memory_space<hbm>> -> memref<8192x128xf32, #tpu.memory_space<hbm>>
    tpu.enqueue_indirect_dma source(%dma_start3A_130 : memref<8192x128xf32, #tpu.memory_space<hbm>>) target(%arg9 : memref<256x128xf32, #tpu.memory_space<vmem>>) offsets(%dma_start3A_127 : memref<256xi32, #tpu.memory_space<vmem>>) semaphore(%arg13 : memref<!tpu.dma_semaphore, #tpu.memory_space<semaphore_mem>>)
    %dma_wait3A_131 = arith.constant 1536 : i32
    %dma_wait3A_132 = tpu.memref_slice %arg7[%dma_wait3A_131] : memref<4096xi32, #tpu.memory_space<vmem>> -> memref<256xi32, #tpu.memory_space<vmem>>
    %dma_wait3A_133 = arith.constant 0 : i32
    %dma_wait3A_134 = arith.constant 0 : i32
    %dma_wait3A_135 = tpu.memref_slice %arg2[%dma_wait3A_133, %dma_wait3A_134] : memref<8192x128xf32, #tpu.memory_space<hbm>> -> memref<8192x128xf32, #tpu.memory_space<hbm>>
    tpu.wait_indirect_dma semaphore(%arg12 : memref<!tpu.dma_semaphore, #tpu.memory_space<semaphore_mem>>) src(%dma_wait3A_135 : memref<8192x128xf32, #tpu.memory_space<hbm>>) dst(%arg8 : memref<256x128xf32, #tpu.memory_space<vmem>>)
    %add3A_136 = arith.constant 1536 : i32
    %add3A_137 = arith.addi %mul3A_2, %add3A_136 : i32
    %dma_start3A_138 = arith.constant 0 : i32
    %dma_start3A_139 = tpu.memref_slice %arg5[%add3A_137, %dma_start3A_138] : memref<131072x128xf32, #tpu.memory_space<hbm>> -> memref<256x128xf32, #tpu.memory_space<hbm>>
    %dma_start3A_140 = arith.constant 0 : i32
    %dma_start3A_141 = tpu.memref_slice %arg5[%add3A_137, %dma_start3A_140] : memref<131072x128xf32, #tpu.memory_space<hbm>> -> memref<256x128xf32, #tpu.memory_space<hbm>>
    tpu.enqueue_dma source(%arg8 : memref<256x128xf32, #tpu.memory_space<vmem>>) target(%dma_start3A_141 : memref<256x128xf32, #tpu.memory_space<hbm>>) target_semaphore(%arg14 : memref<!tpu.dma_semaphore, #tpu.memory_space<semaphore_mem>>)
    %dma_wait3A_142 = arith.constant 0 : i32
    %dma_wait3A_143 = tpu.memref_slice %arg5[%add3A_137, %dma_wait3A_142] : memref<131072x128xf32, #tpu.memory_space<hbm>> -> memref<256x128xf32, #tpu.memory_space<hbm>>
    %dma_wait3A_144 = arith.constant 0 : i32
    %dma_wait3A_145 = tpu.memref_slice %arg5[%add3A_137, %dma_wait3A_144] : memref<131072x128xf32, #tpu.memory_space<hbm>> -> memref<256x128xf32, #tpu.memory_space<hbm>>
    tpu.wait_dma2 semaphore(%arg14 : memref<!tpu.dma_semaphore, #tpu.memory_space<semaphore_mem>>) src(%arg8 : memref<256x128xf32, #tpu.memory_space<vmem>>) dst(%dma_wait3A_145 : memref<256x128xf32, #tpu.memory_space<hbm>>)
    %dma_start3A_146 = arith.constant 2048 : i32
    %dma_start3A_147 = tpu.memref_slice %arg7[%dma_start3A_146] : memref<4096xi32, #tpu.memory_space<vmem>> -> memref<256xi32, #tpu.memory_space<vmem>>
    %dma_start3A_148 = arith.constant 0 : i32
    %dma_start3A_149 = arith.constant 0 : i32
    %dma_start3A_150 = tpu.memref_slice %arg2[%dma_start3A_148, %dma_start3A_149] : memref<8192x128xf32, #tpu.memory_space<hbm>> -> memref<8192x128xf32, #tpu.memory_space<hbm>>
    tpu.enqueue_indirect_dma source(%dma_start3A_150 : memref<8192x128xf32, #tpu.memory_space<hbm>>) target(%arg8 : memref<256x128xf32, #tpu.memory_space<vmem>>) offsets(%dma_start3A_147 : memref<256xi32, #tpu.memory_space<vmem>>) semaphore(%arg12 : memref<!tpu.dma_semaphore, #tpu.memory_space<semaphore_mem>>)
    %dma_wait3A_151 = arith.constant 1792 : i32
    %dma_wait3A_152 = tpu.memref_slice %arg7[%dma_wait3A_151] : memref<4096xi32, #tpu.memory_space<vmem>> -> memref<256xi32, #tpu.memory_space<vmem>>
    %dma_wait3A_153 = arith.constant 0 : i32
    %dma_wait3A_154 = arith.constant 0 : i32
    %dma_wait3A_155 = tpu.memref_slice %arg2[%dma_wait3A_153, %dma_wait3A_154] : memref<8192x128xf32, #tpu.memory_space<hbm>> -> memref<8192x128xf32, #tpu.memory_space<hbm>>
    tpu.wait_indirect_dma semaphore(%arg13 : memref<!tpu.dma_semaphore, #tpu.memory_space<semaphore_mem>>) src(%dma_wait3A_155 : memref<8192x128xf32, #tpu.memory_space<hbm>>) dst(%arg9 : memref<256x128xf32, #tpu.memory_space<vmem>>)
    %add3A_156 = arith.constant 1792 : i32
    %add3A_157 = arith.addi %mul3A_2, %add3A_156 : i32
    %dma_start3A_158 = arith.constant 0 : i32
    %dma_start3A_159 = tpu.memref_slice %arg5[%add3A_157, %dma_start3A_158] : memref<131072x128xf32, #tpu.memory_space<hbm>> -> memref<256x128xf32, #tpu.memory_space<hbm>>
    %dma_start3A_160 = arith.constant 0 : i32
    %dma_start3A_161 = tpu.memref_slice %arg5[%add3A_157, %dma_start3A_160] : memref<131072x128xf32, #tpu.memory_space<hbm>> -> memref<256x128xf32, #tpu.memory_space<hbm>>
    tpu.enqueue_dma source(%arg9 : memref<256x128xf32, #tpu.memory_space<vmem>>) target(%dma_start3A_161 : memref<256x128xf32, #tpu.memory_space<hbm>>) target_semaphore(%arg15 : memref<!tpu.dma_semaphore, #tpu.memory_space<semaphore_mem>>)
    %dma_wait3A_162 = arith.constant 0 : i32
    %dma_wait3A_163 = tpu.memref_slice %arg5[%add3A_157, %dma_wait3A_162] : memref<131072x128xf32, #tpu.memory_space<hbm>> -> memref<256x128xf32, #tpu.memory_space<hbm>>
    %dma_wait3A_164 = arith.constant 0 : i32
    %dma_wait3A_165 = tpu.memref_slice %arg5[%add3A_157, %dma_wait3A_164] : memref<131072x128xf32, #tpu.memory_space<hbm>> -> memref<256x128xf32, #tpu.memory_space<hbm>>
    tpu.wait_dma2 semaphore(%arg15 : memref<!tpu.dma_semaphore, #tpu.memory_space<semaphore_mem>>) src(%arg9 : memref<256x128xf32, #tpu.memory_space<vmem>>) dst(%dma_wait3A_165 : memref<256x128xf32, #tpu.memory_space<hbm>>)
    %dma_start3A_166 = arith.constant 2304 : i32
    %dma_start3A_167 = tpu.memref_slice %arg7[%dma_start3A_166] : memref<4096xi32, #tpu.memory_space<vmem>> -> memref<256xi32, #tpu.memory_space<vmem>>
    %dma_start3A_168 = arith.constant 0 : i32
    %dma_start3A_169 = arith.constant 0 : i32
    %dma_start3A_170 = tpu.memref_slice %arg2[%dma_start3A_168, %dma_start3A_169] : memref<8192x128xf32, #tpu.memory_space<hbm>> -> memref<8192x128xf32, #tpu.memory_space<hbm>>
    tpu.enqueue_indirect_dma source(%dma_start3A_170 : memref<8192x128xf32, #tpu.memory_space<hbm>>) target(%arg9 : memref<256x128xf32, #tpu.memory_space<vmem>>) offsets(%dma_start3A_167 : memref<256xi32, #tpu.memory_space<vmem>>) semaphore(%arg13 : memref<!tpu.dma_semaphore, #tpu.memory_space<semaphore_mem>>)
    %dma_wait3A_171 = arith.constant 2048 : i32
    %dma_wait3A_172 = tpu.memref_slice %arg7[%dma_wait3A_171] : memref<4096xi32, #tpu.memory_space<vmem>> -> memref<256xi32, #tpu.memory_space<vmem>>
    %dma_wait3A_173 = arith.constant 0 : i32
    %dma_wait3A_174 = arith.constant 0 : i32
    %dma_wait3A_175 = tpu.memref_slice %arg2[%dma_wait3A_173, %dma_wait3A_174] : memref<8192x128xf32, #tpu.memory_space<hbm>> -> memref<8192x128xf32, #tpu.memory_space<hbm>>
    tpu.wait_indirect_dma semaphore(%arg12 : memref<!tpu.dma_semaphore, #tpu.memory_space<semaphore_mem>>) src(%dma_wait3A_175 : memref<8192x128xf32, #tpu.memory_space<hbm>>) dst(%arg8 : memref<256x128xf32, #tpu.memory_space<vmem>>)
    %add3A_176 = arith.constant 2048 : i32
    %add3A_177 = arith.addi %mul3A_2, %add3A_176 : i32
    %dma_start3A_178 = arith.constant 0 : i32
    %dma_start3A_179 = tpu.memref_slice %arg5[%add3A_177, %dma_start3A_178] : memref<131072x128xf32, #tpu.memory_space<hbm>> -> memref<256x128xf32, #tpu.memory_space<hbm>>
    %dma_start3A_180 = arith.constant 0 : i32
    %dma_start3A_181 = tpu.memref_slice %arg5[%add3A_177, %dma_start3A_180] : memref<131072x128xf32, #tpu.memory_space<hbm>> -> memref<256x128xf32, #tpu.memory_space<hbm>>
    tpu.enqueue_dma source(%arg8 : memref<256x128xf32, #tpu.memory_space<vmem>>) target(%dma_start3A_181 : memref<256x128xf32, #tpu.memory_space<hbm>>) target_semaphore(%arg14 : memref<!tpu.dma_semaphore, #tpu.memory_space<semaphore_mem>>)
    %dma_wait3A_182 = arith.constant 0 : i32
    %dma_wait3A_183 = tpu.memref_slice %arg5[%add3A_177, %dma_wait3A_182] : memref<131072x128xf32, #tpu.memory_space<hbm>> -> memref<256x128xf32, #tpu.memory_space<hbm>>
    %dma_wait3A_184 = arith.constant 0 : i32
    %dma_wait3A_185 = tpu.memref_slice %arg5[%add3A_177, %dma_wait3A_184] : memref<131072x128xf32, #tpu.memory_space<hbm>> -> memref<256x128xf32, #tpu.memory_space<hbm>>
    tpu.wait_dma2 semaphore(%arg14 : memref<!tpu.dma_semaphore, #tpu.memory_space<semaphore_mem>>) src(%arg8 : memref<256x128xf32, #tpu.memory_space<vmem>>) dst(%dma_wait3A_185 : memref<256x128xf32, #tpu.memory_space<hbm>>)
    %dma_start3A_186 = arith.constant 2560 : i32
    %dma_start3A_187 = tpu.memref_slice %arg7[%dma_start3A_186] : memref<4096xi32, #tpu.memory_space<vmem>> -> memref<256xi32, #tpu.memory_space<vmem>>
    %dma_start3A_188 = arith.constant 0 : i32
    %dma_start3A_189 = arith.constant 0 : i32
    %dma_start3A_190 = tpu.memref_slice %arg2[%dma_start3A_188, %dma_start3A_189] : memref<8192x128xf32, #tpu.memory_space<hbm>> -> memref<8192x128xf32, #tpu.memory_space<hbm>>
    tpu.enqueue_indirect_dma source(%dma_start3A_190 : memref<8192x128xf32, #tpu.memory_space<hbm>>) target(%arg8 : memref<256x128xf32, #tpu.memory_space<vmem>>) offsets(%dma_start3A_187 : memref<256xi32, #tpu.memory_space<vmem>>) semaphore(%arg12 : memref<!tpu.dma_semaphore, #tpu.memory_space<semaphore_mem>>)
    %dma_wait3A_191 = arith.constant 2304 : i32
    %dma_wait3A_192 = tpu.memref_slice %arg7[%dma_wait3A_191] : memref<4096xi32, #tpu.memory_space<vmem>> -> memref<256xi32, #tpu.memory_space<vmem>>
    %dma_wait3A_193 = arith.constant 0 : i32
    %dma_wait3A_194 = arith.constant 0 : i32
    %dma_wait3A_195 = tpu.memref_slice %arg2[%dma_wait3A_193, %dma_wait3A_194] : memref<8192x128xf32, #tpu.memory_space<hbm>> -> memref<8192x128xf32, #tpu.memory_space<hbm>>
    tpu.wait_indirect_dma semaphore(%arg13 : memref<!tpu.dma_semaphore, #tpu.memory_space<semaphore_mem>>) src(%dma_wait3A_195 : memref<8192x128xf32, #tpu.memory_space<hbm>>) dst(%arg9 : memref<256x128xf32, #tpu.memory_space<vmem>>)
    %add3A_196 = arith.constant 2304 : i32
    %add3A_197 = arith.addi %mul3A_2, %add3A_196 : i32
    %dma_start3A_198 = arith.constant 0 : i32
    %dma_start3A_199 = tpu.memref_slice %arg5[%add3A_197, %dma_start3A_198] : memref<131072x128xf32, #tpu.memory_space<hbm>> -> memref<256x128xf32, #tpu.memory_space<hbm>>
    %dma_start3A_200 = arith.constant 0 : i32
    %dma_start3A_201 = tpu.memref_slice %arg5[%add3A_197, %dma_start3A_200] : memref<131072x128xf32, #tpu.memory_space<hbm>> -> memref<256x128xf32, #tpu.memory_space<hbm>>
    tpu.enqueue_dma source(%arg9 : memref<256x128xf32, #tpu.memory_space<vmem>>) target(%dma_start3A_201 : memref<256x128xf32, #tpu.memory_space<hbm>>) target_semaphore(%arg15 : memref<!tpu.dma_semaphore, #tpu.memory_space<semaphore_mem>>)
    %dma_wait3A_202 = arith.constant 0 : i32
    %dma_wait3A_203 = tpu.memref_slice %arg5[%add3A_197, %dma_wait3A_202] : memref<131072x128xf32, #tpu.memory_space<hbm>> -> memref<256x128xf32, #tpu.memory_space<hbm>>
    %dma_wait3A_204 = arith.constant 0 : i32
    %dma_wait3A_205 = tpu.memref_slice %arg5[%add3A_197, %dma_wait3A_204] : memref<131072x128xf32, #tpu.memory_space<hbm>> -> memref<256x128xf32, #tpu.memory_space<hbm>>
    tpu.wait_dma2 semaphore(%arg15 : memref<!tpu.dma_semaphore, #tpu.memory_space<semaphore_mem>>) src(%arg9 : memref<256x128xf32, #tpu.memory_space<vmem>>) dst(%dma_wait3A_205 : memref<256x128xf32, #tpu.memory_space<hbm>>)
    %dma_start3A_206 = arith.constant 2816 : i32
    %dma_start3A_207 = tpu.memref_slice %arg7[%dma_start3A_206] : memref<4096xi32, #tpu.memory_space<vmem>> -> memref<256xi32, #tpu.memory_space<vmem>>
    %dma_start3A_208 = arith.constant 0 : i32
    %dma_start3A_209 = arith.constant 0 : i32
    %dma_start3A_210 = tpu.memref_slice %arg2[%dma_start3A_208, %dma_start3A_209] : memref<8192x128xf32, #tpu.memory_space<hbm>> -> memref<8192x128xf32, #tpu.memory_space<hbm>>
    tpu.enqueue_indirect_dma source(%dma_start3A_210 : memref<8192x128xf32, #tpu.memory_space<hbm>>) target(%arg9 : memref<256x128xf32, #tpu.memory_space<vmem>>) offsets(%dma_start3A_207 : memref<256xi32, #tpu.memory_space<vmem>>) semaphore(%arg13 : memref<!tpu.dma_semaphore, #tpu.memory_space<semaphore_mem>>)
    %dma_wait3A_211 = arith.constant 2560 : i32
    %dma_wait3A_212 = tpu.memref_slice %arg7[%dma_wait3A_211] : memref<4096xi32, #tpu.memory_space<vmem>> -> memref<256xi32, #tpu.memory_space<vmem>>
    %dma_wait3A_213 = arith.constant 0 : i32
    %dma_wait3A_214 = arith.constant 0 : i32
    %dma_wait3A_215 = tpu.memref_slice %arg2[%dma_wait3A_213, %dma_wait3A_214] : memref<8192x128xf32, #tpu.memory_space<hbm>> -> memref<8192x128xf32, #tpu.memory_space<hbm>>
    tpu.wait_indirect_dma semaphore(%arg12 : memref<!tpu.dma_semaphore, #tpu.memory_space<semaphore_mem>>) src(%dma_wait3A_215 : memref<8192x128xf32, #tpu.memory_space<hbm>>) dst(%arg8 : memref<256x128xf32, #tpu.memory_space<vmem>>)
    %add3A_216 = arith.constant 2560 : i32
    %add3A_217 = arith.addi %mul3A_2, %add3A_216 : i32
    %dma_start3A_218 = arith.constant 0 : i32
    %dma_start3A_219 = tpu.memref_slice %arg5[%add3A_217, %dma_start3A_218] : memref<131072x128xf32, #tpu.memory_space<hbm>> -> memref<256x128xf32, #tpu.memory_space<hbm>>
    %dma_start3A_220 = arith.constant 0 : i32
    %dma_start3A_221 = tpu.memref_slice %arg5[%add3A_217, %dma_start3A_220] : memref<131072x128xf32, #tpu.memory_space<hbm>> -> memref<256x128xf32, #tpu.memory_space<hbm>>
    tpu.enqueue_dma source(%arg8 : memref<256x128xf32, #tpu.memory_space<vmem>>) target(%dma_start3A_221 : memref<256x128xf32, #tpu.memory_space<hbm>>) target_semaphore(%arg14 : memref<!tpu.dma_semaphore, #tpu.memory_space<semaphore_mem>>)
    %dma_wait3A_222 = arith.constant 0 : i32
    %dma_wait3A_223 = tpu.memref_slice %arg5[%add3A_217, %dma_wait3A_222] : memref<131072x128xf32, #tpu.memory_space<hbm>> -> memref<256x128xf32, #tpu.memory_space<hbm>>
    %dma_wait3A_224 = arith.constant 0 : i32
    %dma_wait3A_225 = tpu.memref_slice %arg5[%add3A_217, %dma_wait3A_224] : memref<131072x128xf32, #tpu.memory_space<hbm>> -> memref<256x128xf32, #tpu.memory_space<hbm>>
    tpu.wait_dma2 semaphore(%arg14 : memref<!tpu.dma_semaphore, #tpu.memory_space<semaphore_mem>>) src(%arg8 : memref<256x128xf32, #tpu.memory_space<vmem>>) dst(%dma_wait3A_225 : memref<256x128xf32, #tpu.memory_space<hbm>>)
    %dma_start3A_226 = arith.constant 3072 : i32
    %dma_start3A_227 = tpu.memref_slice %arg7[%dma_start3A_226] : memref<4096xi32, #tpu.memory_space<vmem>> -> memref<256xi32, #tpu.memory_space<vmem>>
    %dma_start3A_228 = arith.constant 0 : i32
    %dma_start3A_229 = arith.constant 0 : i32
    %dma_start3A_230 = tpu.memref_slice %arg2[%dma_start3A_228, %dma_start3A_229] : memref<8192x128xf32, #tpu.memory_space<hbm>> -> memref<8192x128xf32, #tpu.memory_space<hbm>>
    tpu.enqueue_indirect_dma source(%dma_start3A_230 : memref<8192x128xf32, #tpu.memory_space<hbm>>) target(%arg8 : memref<256x128xf32, #tpu.memory_space<vmem>>) offsets(%dma_start3A_227 : memref<256xi32, #tpu.memory_space<vmem>>) semaphore(%arg12 : memref<!tpu.dma_semaphore, #tpu.memory_space<semaphore_mem>>)
    %dma_wait3A_231 = arith.constant 2816 : i32
    %dma_wait3A_232 = tpu.memref_slice %arg7[%dma_wait3A_231] : memref<4096xi32, #tpu.memory_space<vmem>> -> memref<256xi32, #tpu.memory_space<vmem>>
    %dma_wait3A_233 = arith.constant 0 : i32
    %dma_wait3A_234 = arith.constant 0 : i32
    %dma_wait3A_235 = tpu.memref_slice %arg2[%dma_wait3A_233, %dma_wait3A_234] : memref<8192x128xf32, #tpu.memory_space<hbm>> -> memref<8192x128xf32, #tpu.memory_space<hbm>>
    tpu.wait_indirect_dma semaphore(%arg13 : memref<!tpu.dma_semaphore, #tpu.memory_space<semaphore_mem>>) src(%dma_wait3A_235 : memref<8192x128xf32, #tpu.memory_space<hbm>>) dst(%arg9 : memref<256x128xf32, #tpu.memory_space<vmem>>)
    %add3A_236 = arith.constant 2816 : i32
    %add3A_237 = arith.addi %mul3A_2, %add3A_236 : i32
    %dma_start3A_238 = arith.constant 0 : i32
    %dma_start3A_239 = tpu.memref_slice %arg5[%add3A_237, %dma_start3A_238] : memref<131072x128xf32, #tpu.memory_space<hbm>> -> memref<256x128xf32, #tpu.memory_space<hbm>>
    %dma_start3A_240 = arith.constant 0 : i32
    %dma_start3A_241 = tpu.memref_slice %arg5[%add3A_237, %dma_start3A_240] : memref<131072x128xf32, #tpu.memory_space<hbm>> -> memref<256x128xf32, #tpu.memory_space<hbm>>
    tpu.enqueue_dma source(%arg9 : memref<256x128xf32, #tpu.memory_space<vmem>>) target(%dma_start3A_241 : memref<256x128xf32, #tpu.memory_space<hbm>>) target_semaphore(%arg15 : memref<!tpu.dma_semaphore, #tpu.memory_space<semaphore_mem>>)
    %dma_wait3A_242 = arith.constant 0 : i32
    %dma_wait3A_243 = tpu.memref_slice %arg5[%add3A_237, %dma_wait3A_242] : memref<131072x128xf32, #tpu.memory_space<hbm>> -> memref<256x128xf32, #tpu.memory_space<hbm>>
    %dma_wait3A_244 = arith.constant 0 : i32
    %dma_wait3A_245 = tpu.memref_slice %arg5[%add3A_237, %dma_wait3A_244] : memref<131072x128xf32, #tpu.memory_space<hbm>> -> memref<256x128xf32, #tpu.memory_space<hbm>>
    tpu.wait_dma2 semaphore(%arg15 : memref<!tpu.dma_semaphore, #tpu.memory_space<semaphore_mem>>) src(%arg9 : memref<256x128xf32, #tpu.memory_space<vmem>>) dst(%dma_wait3A_245 : memref<256x128xf32, #tpu.memory_space<hbm>>)
    %dma_start3A_246 = arith.constant 3328 : i32
    %dma_start3A_247 = tpu.memref_slice %arg7[%dma_start3A_246] : memref<4096xi32, #tpu.memory_space<vmem>> -> memref<256xi32, #tpu.memory_space<vmem>>
    %dma_start3A_248 = arith.constant 0 : i32
    %dma_start3A_249 = arith.constant 0 : i32
    %dma_start3A_250 = tpu.memref_slice %arg2[%dma_start3A_248, %dma_start3A_249] : memref<8192x128xf32, #tpu.memory_space<hbm>> -> memref<8192x128xf32, #tpu.memory_space<hbm>>
    tpu.enqueue_indirect_dma source(%dma_start3A_250 : memref<8192x128xf32, #tpu.memory_space<hbm>>) target(%arg9 : memref<256x128xf32, #tpu.memory_space<vmem>>) offsets(%dma_start3A_247 : memref<256xi32, #tpu.memory_space<vmem>>) semaphore(%arg13 : memref<!tpu.dma_semaphore, #tpu.memory_space<semaphore_mem>>)
    %dma_wait3A_251 = arith.constant 3072 : i32
    %dma_wait3A_252 = tpu.memref_slice %arg7[%dma_wait3A_251] : memref<4096xi32, #tpu.memory_space<vmem>> -> memref<256xi32, #tpu.memory_space<vmem>>
    %dma_wait3A_253 = arith.constant 0 : i32
    %dma_wait3A_254 = arith.constant 0 : i32
    %dma_wait3A_255 = tpu.memref_slice %arg2[%dma_wait3A_253, %dma_wait3A_254] : memref<8192x128xf32, #tpu.memory_space<hbm>> -> memref<8192x128xf32, #tpu.memory_space<hbm>>
    tpu.wait_indirect_dma semaphore(%arg12 : memref<!tpu.dma_semaphore, #tpu.memory_space<semaphore_mem>>) src(%dma_wait3A_255 : memref<8192x128xf32, #tpu.memory_space<hbm>>) dst(%arg8 : memref<256x128xf32, #tpu.memory_space<vmem>>)
    %add3A_256 = arith.constant 3072 : i32
    %add3A_257 = arith.addi %mul3A_2, %add3A_256 : i32
    %dma_start3A_258 = arith.constant 0 : i32
    %dma_start3A_259 = tpu.memref_slice %arg5[%add3A_257, %dma_start3A_258] : memref<131072x128xf32, #tpu.memory_space<hbm>> -> memref<256x128xf32, #tpu.memory_space<hbm>>
    %dma_start3A_260 = arith.constant 0 : i32
    %dma_start3A_261 = tpu.memref_slice %arg5[%add3A_257, %dma_start3A_260] : memref<131072x128xf32, #tpu.memory_space<hbm>> -> memref<256x128xf32, #tpu.memory_space<hbm>>
    tpu.enqueue_dma source(%arg8 : memref<256x128xf32, #tpu.memory_space<vmem>>) target(%dma_start3A_261 : memref<256x128xf32, #tpu.memory_space<hbm>>) target_semaphore(%arg14 : memref<!tpu.dma_semaphore, #tpu.memory_space<semaphore_mem>>)
    %dma_wait3A_262 = arith.constant 0 : i32
    %dma_wait3A_263 = tpu.memref_slice %arg5[%add3A_257, %dma_wait3A_262] : memref<131072x128xf32, #tpu.memory_space<hbm>> -> memref<256x128xf32, #tpu.memory_space<hbm>>
    %dma_wait3A_264 = arith.constant 0 : i32
    %dma_wait3A_265 = tpu.memref_slice %arg5[%add3A_257, %dma_wait3A_264] : memref<131072x128xf32, #tpu.memory_space<hbm>> -> memref<256x128xf32, #tpu.memory_space<hbm>>
    tpu.wait_dma2 semaphore(%arg14 : memref<!tpu.dma_semaphore, #tpu.memory_space<semaphore_mem>>) src(%arg8 : memref<256x128xf32, #tpu.memory_space<vmem>>) dst(%dma_wait3A_265 : memref<256x128xf32, #tpu.memory_space<hbm>>)
    %dma_start3A_266 = arith.constant 3584 : i32
    %dma_start3A_267 = tpu.memref_slice %arg7[%dma_start3A_266] : memref<4096xi32, #tpu.memory_space<vmem>> -> memref<256xi32, #tpu.memory_space<vmem>>
    %dma_start3A_268 = arith.constant 0 : i32
    %dma_start3A_269 = arith.constant 0 : i32
    %dma_start3A_270 = tpu.memref_slice %arg2[%dma_start3A_268, %dma_start3A_269] : memref<8192x128xf32, #tpu.memory_space<hbm>> -> memref<8192x128xf32, #tpu.memory_space<hbm>>
    tpu.enqueue_indirect_dma source(%dma_start3A_270 : memref<8192x128xf32, #tpu.memory_space<hbm>>) target(%arg8 : memref<256x128xf32, #tpu.memory_space<vmem>>) offsets(%dma_start3A_267 : memref<256xi32, #tpu.memory_space<vmem>>) semaphore(%arg12 : memref<!tpu.dma_semaphore, #tpu.memory_space<semaphore_mem>>)
    %dma_wait3A_271 = arith.constant 3328 : i32
    %dma_wait3A_272 = tpu.memref_slice %arg7[%dma_wait3A_271] : memref<4096xi32, #tpu.memory_space<vmem>> -> memref<256xi32, #tpu.memory_space<vmem>>
    %dma_wait3A_273 = arith.constant 0 : i32
    %dma_wait3A_274 = arith.constant 0 : i32
    %dma_wait3A_275 = tpu.memref_slice %arg2[%dma_wait3A_273, %dma_wait3A_274] : memref<8192x128xf32, #tpu.memory_space<hbm>> -> memref<8192x128xf32, #tpu.memory_space<hbm>>
    tpu.wait_indirect_dma semaphore(%arg13 : memref<!tpu.dma_semaphore, #tpu.memory_space<semaphore_mem>>) src(%dma_wait3A_275 : memref<8192x128xf32, #tpu.memory_space<hbm>>) dst(%arg9 : memref<256x128xf32, #tpu.memory_space<vmem>>)
    %add3A_276 = arith.constant 3328 : i32
    %add3A_277 = arith.addi %mul3A_2, %add3A_276 : i32
    %dma_start3A_278 = arith.constant 0 : i32
    %dma_start3A_279 = tpu.memref_slice %arg5[%add3A_277, %dma_start3A_278] : memref<131072x128xf32, #tpu.memory_space<hbm>> -> memref<256x128xf32, #tpu.memory_space<hbm>>
    %dma_start3A_280 = arith.constant 0 : i32
    %dma_start3A_281 = tpu.memref_slice %arg5[%add3A_277, %dma_start3A_280] : memref<131072x128xf32, #tpu.memory_space<hbm>> -> memref<256x128xf32, #tpu.memory_space<hbm>>
    tpu.enqueue_dma source(%arg9 : memref<256x128xf32, #tpu.memory_space<vmem>>) target(%dma_start3A_281 : memref<256x128xf32, #tpu.memory_space<hbm>>) target_semaphore(%arg15 : memref<!tpu.dma_semaphore, #tpu.memory_space<semaphore_mem>>)
    %dma_wait3A_282 = arith.constant 0 : i32
    %dma_wait3A_283 = tpu.memref_slice %arg5[%add3A_277, %dma_wait3A_282] : memref<131072x128xf32, #tpu.memory_space<hbm>> -> memref<256x128xf32, #tpu.memory_space<hbm>>
    %dma_wait3A_284 = arith.constant 0 : i32
    %dma_wait3A_285 = tpu.memref_slice %arg5[%add3A_277, %dma_wait3A_284] : memref<131072x128xf32, #tpu.memory_space<hbm>> -> memref<256x128xf32, #tpu.memory_space<hbm>>
    tpu.wait_dma2 semaphore(%arg15 : memref<!tpu.dma_semaphore, #tpu.memory_space<semaphore_mem>>) src(%arg9 : memref<256x128xf32, #tpu.memory_space<vmem>>) dst(%dma_wait3A_285 : memref<256x128xf32, #tpu.memory_space<hbm>>)
    %dma_start3A_286 = arith.constant 3840 : i32
    %dma_start3A_287 = tpu.memref_slice %arg7[%dma_start3A_286] : memref<4096xi32, #tpu.memory_space<vmem>> -> memref<256xi32, #tpu.memory_space<vmem>>
    %dma_start3A_288 = arith.constant 0 : i32
    %dma_start3A_289 = arith.constant 0 : i32
    %dma_start3A_290 = tpu.memref_slice %arg2[%dma_start3A_288, %dma_start3A_289] : memref<8192x128xf32, #tpu.memory_space<hbm>> -> memref<8192x128xf32, #tpu.memory_space<hbm>>
    tpu.enqueue_indirect_dma source(%dma_start3A_290 : memref<8192x128xf32, #tpu.memory_space<hbm>>) target(%arg9 : memref<256x128xf32, #tpu.memory_space<vmem>>) offsets(%dma_start3A_287 : memref<256xi32, #tpu.memory_space<vmem>>) semaphore(%arg13 : memref<!tpu.dma_semaphore, #tpu.memory_space<semaphore_mem>>)
    %dma_wait3A_291 = arith.constant 3584 : i32
    %dma_wait3A_292 = tpu.memref_slice %arg7[%dma_wait3A_291] : memref<4096xi32, #tpu.memory_space<vmem>> -> memref<256xi32, #tpu.memory_space<vmem>>
    %dma_wait3A_293 = arith.constant 0 : i32
    %dma_wait3A_294 = arith.constant 0 : i32
    %dma_wait3A_295 = tpu.memref_slice %arg2[%dma_wait3A_293, %dma_wait3A_294] : memref<8192x128xf32, #tpu.memory_space<hbm>> -> memref<8192x128xf32, #tpu.memory_space<hbm>>
    tpu.wait_indirect_dma semaphore(%arg12 : memref<!tpu.dma_semaphore, #tpu.memory_space<semaphore_mem>>) src(%dma_wait3A_295 : memref<8192x128xf32, #tpu.memory_space<hbm>>) dst(%arg8 : memref<256x128xf32, #tpu.memory_space<vmem>>)
    %add3A_296 = arith.constant 3584 : i32
    %add3A_297 = arith.addi %mul3A_2, %add3A_296 : i32
    %dma_start3A_298 = arith.constant 0 : i32
    %dma_start3A_299 = tpu.memref_slice %arg5[%add3A_297, %dma_start3A_298] : memref<131072x128xf32, #tpu.memory_space<hbm>> -> memref<256x128xf32, #tpu.memory_space<hbm>>
    %dma_start3A_300 = arith.constant 0 : i32
    %dma_start3A_301 = tpu.memref_slice %arg5[%add3A_297, %dma_start3A_300] : memref<131072x128xf32, #tpu.memory_space<hbm>> -> memref<256x128xf32, #tpu.memory_space<hbm>>
    tpu.enqueue_dma source(%arg8 : memref<256x128xf32, #tpu.memory_space<vmem>>) target(%dma_start3A_301 : memref<256x128xf32, #tpu.memory_space<hbm>>) target_semaphore(%arg14 : memref<!tpu.dma_semaphore, #tpu.memory_space<semaphore_mem>>)
    %dma_wait3A_302 = arith.constant 3840 : i32
    %dma_wait3A_303 = tpu.memref_slice %arg7[%dma_wait3A_302] : memref<4096xi32, #tpu.memory_space<vmem>> -> memref<256xi32, #tpu.memory_space<vmem>>
    %dma_wait3A_304 = arith.constant 0 : i32
    %dma_wait3A_305 = arith.constant 0 : i32
    %dma_wait3A_306 = tpu.memref_slice %arg2[%dma_wait3A_304, %dma_wait3A_305] : memref<8192x128xf32, #tpu.memory_space<hbm>> -> memref<8192x128xf32, #tpu.memory_space<hbm>>
    tpu.wait_indirect_dma semaphore(%arg13 : memref<!tpu.dma_semaphore, #tpu.memory_space<semaphore_mem>>) src(%dma_wait3A_306 : memref<8192x128xf32, #tpu.memory_space<hbm>>) dst(%arg9 : memref<256x128xf32, #tpu.memory_space<vmem>>)
    %add3A_307 = arith.constant 3840 : i32
    %add3A_308 = arith.addi %mul3A_2, %add3A_307 : i32
    %dma_start3A_309 = arith.constant 0 : i32
    %dma_start3A_310 = tpu.memref_slice %arg5[%add3A_308, %dma_start3A_309] : memref<131072x128xf32, #tpu.memory_space<hbm>> -> memref<256x128xf32, #tpu.memory_space<hbm>>
    %dma_start3A_311 = arith.constant 0 : i32
    %dma_start3A_312 = tpu.memref_slice %arg5[%add3A_308, %dma_start3A_311] : memref<131072x128xf32, #tpu.memory_space<hbm>> -> memref<256x128xf32, #tpu.memory_space<hbm>>
    tpu.enqueue_dma source(%arg9 : memref<256x128xf32, #tpu.memory_space<vmem>>) target(%dma_start3A_312 : memref<256x128xf32, #tpu.memory_space<hbm>>) target_semaphore(%arg15 : memref<!tpu.dma_semaphore, #tpu.memory_space<semaphore_mem>>)
    tpu.wait_dma2 semaphore(%arg16 : memref<!tpu.dma_semaphore, #tpu.memory_space<semaphore_mem>>) src(%arg4 : memref<8192xf32, #tpu.memory_space<hbm>>) dst(%arg10 : memref<8192xf32, #tpu.memory_space<vmem>>)
    %mul3A_313 = arith.constant 256 : i32
    %mul3A_314 = arith.muli %add3A, %mul3A_313 : i32
    %scan3A = arith.constant 0 : i32
    %scan3A_315 = arith.constant 0 : i32
    %scan3A_316 = arith.constant 256 : i32
    %scan3A_317 = arith.addi %scan3A_315, %scan3A_316 : i32
    %scan3A_318 = arith.constant 1 : i32
    scf.for %scan3A_328 = %scan3A_315 to %scan3A_317 step %scan3A_318  : i32 {
      %mul3A_329 = arith.constant 16 : i32
      %mul3A_330 = arith.muli %scan3A_328, %mul3A_329 : i32
      %get3A = arith.index_cast %mul3A_330 : i32 to index
      %get3A_331 = tpu.vector_load %arg7[%get3A] {strides = array<i32>} : memref<4096xi32, #tpu.memory_space<vmem>>, vector<16xi32>,
      %gather3A = tpu.vector_load_idx %arg10[%get3A_331] : memref<8192xf32, #tpu.memory_space<vmem>>[vector<16xi32>], vector<16xf32>,
      %add3A_332 = arith.addi %mul3A_314, %scan3A_328 : i32
      %broadcast_in_dim3A = vector.broadcast %add3A_332 : i32 to vector<16xi32>
      %gather3A_333 = tpu.vector_load_idx %arg10[%broadcast_in_dim3A] : memref<8192xf32, #tpu.memory_space<vmem>>[vector<16xi32>], vector<16xf32>,
      %sub3A = arith.subf %gather3A, %gather3A_333 : vector<16xf32>
      %abs3A = math.absf %sub3A : vector<16xf32>
      %mul3A_334 = arith.constant 16 : i32
      %mul3A_335 = arith.muli %scan3A_328, %mul3A_334 : i32
      %swap3A = arith.index_cast %mul3A_335 : i32 to index
      %swap3A_336 = tpu.vector_load %arg11[%swap3A] {strides = array<i32>} : memref<4096xf32, #tpu.memory_space<vmem>>, vector<16xf32>,
      tpu.vector_store %arg11[%swap3A], %abs3A {strides = array<i32>} : memref<4096xf32, #tpu.memory_space<vmem>>, vector<16xf32>,
    }
    %scan3A_319 = arith.constant 256 : i32
    "tpu.region"() ({
      %run_scoped3A = tpu.sem_alloc : memref<!tpu.dma_semaphore, #tpu.memory_space<semaphore_mem>>
      %dma_start3A_328 = tpu.memref_slice %arg6[%mul3A_2] : memref<131072xf32, #tpu.memory_space<hbm>> -> memref<4096xf32, #tpu.memory_space<hbm>>
      %dma_start3A_329 = tpu.memref_slice %arg6[%mul3A_2] : memref<131072xf32, #tpu.memory_space<hbm>> -> memref<4096xf32, #tpu.memory_space<hbm>>
      tpu.enqueue_dma source(%arg11 : memref<4096xf32, #tpu.memory_space<vmem>>) target(%dma_start3A_329 : memref<4096xf32, #tpu.memory_space<hbm>>) target_semaphore(%run_scoped3A : memref<!tpu.dma_semaphore, #tpu.memory_space<semaphore_mem>>)
      %dma_wait3A_330 = tpu.memref_slice %arg6[%mul3A_2] : memref<131072xf32, #tpu.memory_space<hbm>> -> memref<4096xf32, #tpu.memory_space<hbm>>
      %dma_wait3A_331 = tpu.memref_slice %arg6[%mul3A_2] : memref<131072xf32, #tpu.memory_space<hbm>> -> memref<4096xf32, #tpu.memory_space<hbm>>
      tpu.wait_dma2 semaphore(%run_scoped3A : memref<!tpu.dma_semaphore, #tpu.memory_space<semaphore_mem>>) src(%arg11 : memref<4096xf32, #tpu.memory_space<vmem>>) dst(%dma_wait3A_331 : memref<4096xf32, #tpu.memory_space<hbm>>)
      tpu.yield
    }) : () -> ()
    %dma_wait3A_320 = arith.constant 0 : i32
    %dma_wait3A_321 = tpu.memref_slice %arg5[%add3A_297, %dma_wait3A_320] : memref<131072x128xf32, #tpu.memory_space<hbm>> -> memref<256x128xf32, #tpu.memory_space<hbm>>
    %dma_wait3A_322 = arith.constant 0 : i32
    %dma_wait3A_323 = tpu.memref_slice %arg5[%add3A_297, %dma_wait3A_322] : memref<131072x128xf32, #tpu.memory_space<hbm>> -> memref<256x128xf32, #tpu.memory_space<hbm>>
    tpu.wait_dma2 semaphore(%arg14 : memref<!tpu.dma_semaphore, #tpu.memory_space<semaphore_mem>>) src(%arg8 : memref<256x128xf32, #tpu.memory_space<vmem>>) dst(%dma_wait3A_323 : memref<256x128xf32, #tpu.memory_space<hbm>>)
    %dma_wait3A_324 = arith.constant 0 : i32
    %dma_wait3A_325 = tpu.memref_slice %arg5[%add3A_308, %dma_wait3A_324] : memref<131072x128xf32, #tpu.memory_space<hbm>> -> memref<256x128xf32, #tpu.memory_space<hbm>>
    %dma_wait3A_326 = arith.constant 0 : i32
    %dma_wait3A_327 = tpu.memref_slice %arg5[%add3A_308, %dma_wait3A_326] : memref<131072x128xf32, #tpu.memory_space<hbm>> -> memref<256x128xf32, #tpu.memory_space<hbm>>
    tpu.wait_dma2 semaphore(%arg15 : memref<!tpu.dma_semaphore, #tpu.memory_space<semaphore_mem>>) src(%arg9 : memref<256x128xf32, #tpu.memory_space<vmem>>) dst(%dma_wait3A_327 : memref<256x128xf32, #tpu.memory_space<hbm>>)
    return
  }
}

module attributes {stable_mosaic.version = 14 : i64} {
  func.func @_topk_body(%arg0: i32, %arg1: i32, %arg2: memref<1x512x3xf32, #tpu.memory_space<vmem>>, %arg3: memref<1x3x2048xf32, #tpu.memory_space<vmem>>, %arg4: memref<1x2048xf32, #tpu.memory_space<vmem>>, %arg5: memref<1x512x16xf32, #tpu.memory_space<vmem>>, %arg6: memref<1x512x16xi32, #tpu.memory_space<vmem>>) attributes {dimension_semantics = [#tpu.dimension_semantics<arbitrary>, #tpu.dimension_semantics<arbitrary>], iteration_bounds = array<i64: 4, 4>, scalar_prefetch = 0 : i64, scratch_operands = 0 : i64, tpu.core_type = #tpu.core_type<tc>, window_params = [{transform_indices = @transform_0, window_bounds = array<i64: 1, 512, 3>}, {transform_indices = @transform_1, window_bounds = array<i64: 1, 3, 2048>}, {pipeline_mode = #tpu.pipeline_mode<synchronous>, transform_indices = @transform_2, window_bounds = array<i64: 1, 2048>}, {transform_indices = @transform_3, window_bounds = array<i64: 1, 512, 16>}, {transform_indices = @transform_4, window_bounds = array<i64: 1, 512, 16>}]} {
    %get3A = arith.constant 0 : index
    %get3A_0 = arith.constant 0 : index
    %get3A_1 = arith.constant 0 : index
    %get3A_2 = vector.load %arg2[%get3A, %get3A_0, %get3A_1] : memref<1x512x3xf32, #tpu.memory_space<vmem>>, vector<1x512x3xf32>
    %get3A_3 = vector.shape_cast %get3A_2 : vector<1x512x3xf32> to vector<512x3xf32>
    %get3A_4 = arith.constant 0 : index
    %get3A_5 = arith.constant 0 : index
    %get3A_6 = arith.constant 0 : index
    %get3A_7 = vector.load %arg3[%get3A_4, %get3A_5, %get3A_6] : memref<1x3x2048xf32, #tpu.memory_space<vmem>>, vector<1x3x2048xf32>
    %get3A_8 = vector.shape_cast %get3A_7 : vector<1x3x2048xf32> to vector<3x2048xf32>
    %slice3A = vector.extract_strided_slice %get3A_3 {offsets = [0, 0], sizes = [512, 1], strides = [1, 1]} : vector<512x3xf32> to vector<512x1xf32>
    %slice3A_9 = vector.extract_strided_slice %get3A_8 {offsets = [0, 0], sizes = [1, 2048], strides = [1, 1]} : vector<3x2048xf32> to vector<1x2048xf32>
    %sub3A = vector.broadcast %slice3A : vector<512x1xf32> to vector<512x2048xf32>
    %sub3A_10 = vector.broadcast %slice3A_9 : vector<1x2048xf32> to vector<512x2048xf32>
    %sub3A_11 = arith.subf %sub3A, %sub3A_10 : vector<512x2048xf32>
    %slice3A_12 = vector.extract_strided_slice %get3A_3 {offsets = [0, 1], sizes = [512, 1], strides = [1, 1]} : vector<512x3xf32> to vector<512x1xf32>
    %slice3A_13 = vector.extract_strided_slice %get3A_8 {offsets = [1, 0], sizes = [1, 2048], strides = [1, 1]} : vector<3x2048xf32> to vector<1x2048xf32>
    %sub3A_14 = vector.broadcast %slice3A_12 : vector<512x1xf32> to vector<512x2048xf32>
    %sub3A_15 = vector.broadcast %slice3A_13 : vector<1x2048xf32> to vector<512x2048xf32>
    %sub3A_16 = arith.subf %sub3A_14, %sub3A_15 : vector<512x2048xf32>
    %slice3A_17 = vector.extract_strided_slice %get3A_3 {offsets = [0, 2], sizes = [512, 1], strides = [1, 1]} : vector<512x3xf32> to vector<512x1xf32>
    %slice3A_18 = vector.extract_strided_slice %get3A_8 {offsets = [2, 0], sizes = [1, 2048], strides = [1, 1]} : vector<3x2048xf32> to vector<1x2048xf32>
    %sub3A_19 = vector.broadcast %slice3A_17 : vector<512x1xf32> to vector<512x2048xf32>
    %sub3A_20 = vector.broadcast %slice3A_18 : vector<1x2048xf32> to vector<512x2048xf32>
    %sub3A_21 = arith.subf %sub3A_19, %sub3A_20 : vector<512x2048xf32>
    %mul3A = arith.mulf %sub3A_11, %sub3A_11 : vector<512x2048xf32>
    %mul3A_22 = arith.mulf %sub3A_16, %sub3A_16 : vector<512x2048xf32>
    %add3A = arith.addf %mul3A, %mul3A_22 : vector<512x2048xf32>
    %mul3A_23 = arith.mulf %sub3A_21, %sub3A_21 : vector<512x2048xf32>
    %add3A_24 = arith.addf %add3A, %mul3A_23 : vector<512x2048xf32>
    %get3A_25 = arith.constant 0 : index
    %get3A_26 = arith.constant 0 : index
    %get3A_27 = vector.load %arg4[%get3A_25, %get3A_26] : memref<1x2048xf32, #tpu.memory_space<vmem>>, vector<1x2048xf32>
    %mul3A_28 = arith.constant 512 : i32
    %mul3A_29 = arith.muli %arg1, %mul3A_28 : i32
    %iota3A = tpu.iota {dimensions = array<i32: 0>} : vector<512x1xi32>
    %add3A_30 = vector.broadcast %mul3A_29 : i32 to vector<512x1xi32>
    %add3A_31 = arith.addi %iota3A, %add3A_30 : vector<512x1xi32>
    %convert_element_type3A = arith.sitofp %add3A_31 : vector<512x1xi32> to vector<512x1xf32>
    %broadcast_in_dim3A = arith.constant 0.000000e+00 : f32
    %broadcast_in_dim3A_32 = vector.broadcast %broadcast_in_dim3A : f32 to vector<512x1xf32>
    %eq3A = vector.broadcast %get3A_27 : vector<1x2048xf32> to vector<512x2048xf32>
    %eq3A_33 = vector.broadcast %convert_element_type3A : vector<512x1xf32> to vector<512x2048xf32>
    %eq3A_34 = arith.cmpf oeq, %eq3A, %eq3A_33 : vector<512x2048xf32>
    %jit3A = arith.constant 0x7F800000 : f32
    %broadcast_in_dim3A_35 = vector.broadcast %jit3A : f32 to vector<512x2048xf32>
    %select_n3A = arith.select %eq3A_34, %broadcast_in_dim3A_35, %add3A_24 : vector<512x2048xi1>, vector<512x2048xf32>
    %reduce_min3A = arith.constant dense<0x7F800000> : vector<512xf32>
    %reduce_min3A_36 = vector.multi_reduction <minimumf>, %select_n3A, %reduce_min3A [1] : vector<512x2048xf32> to vector<512xf32>
    %broadcast_in_dim3A_37 = vector.shape_cast %reduce_min3A_36 : vector<512xf32> to vector<512x1xf32>
    %eq3A_38 = vector.broadcast %broadcast_in_dim3A_37 : vector<512x1xf32> to vector<512x2048xf32>
    %eq3A_39 = arith.cmpf oeq, %select_n3A, %eq3A_38 : vector<512x2048xf32>
    %jit3A_40 = arith.constant 2.048000e+03 : f32
    %broadcast_in_dim3A_41 = vector.shape_cast %get3A_27 : vector<1x2048xf32> to vector<1x2048xf32>
    %broadcast_in_dim3A_42 = vector.broadcast %broadcast_in_dim3A_41 : vector<1x2048xf32> to vector<512x2048xf32>
    %broadcast_in_dim3A_43 = vector.broadcast %jit3A_40 : f32 to vector<512x2048xf32>
    %select_n3A_44 = arith.select %eq3A_39, %broadcast_in_dim3A_42, %broadcast_in_dim3A_43 : vector<512x2048xi1>, vector<512x2048xf32>
    %reduce_min3A_45 = arith.constant dense<0x7F800000> : vector<512xf32>
    %reduce_min3A_46 = vector.multi_reduction <minimumf>, %select_n3A_44, %reduce_min3A_45 [1] : vector<512x2048xf32> to vector<512xf32>
    %broadcast_in_dim3A_47 = vector.shape_cast %reduce_min3A_46 : vector<512xf32> to vector<512x1xf32>
    %eq3A_48 = vector.broadcast %get3A_27 : vector<1x2048xf32> to vector<512x2048xf32>
    %eq3A_49 = vector.broadcast %broadcast_in_dim3A_47 : vector<512x1xf32> to vector<512x2048xf32>
    %eq3A_50 = arith.cmpf oeq, %eq3A_48, %eq3A_49 : vector<512x2048xf32>
    %jit3A_51 = arith.constant 0x7F800000 : f32
    %broadcast_in_dim3A_52 = vector.broadcast %jit3A_51 : f32 to vector<512x2048xf32>
    %select_n3A_53 = arith.select %eq3A_50, %broadcast_in_dim3A_52, %select_n3A : vector<512x2048xi1>, vector<512x2048xf32>
    %reduce_min3A_54 = arith.constant dense<0x7F800000> : vector<512xf32>
    %reduce_min3A_55 = vector.multi_reduction <minimumf>, %select_n3A_53, %reduce_min3A_54 [1] : vector<512x2048xf32> to vector<512xf32>
    %broadcast_in_dim3A_56 = vector.shape_cast %reduce_min3A_55 : vector<512xf32> to vector<512x1xf32>
    %eq3A_57 = vector.broadcast %broadcast_in_dim3A_56 : vector<512x1xf32> to vector<512x2048xf32>
    %eq3A_58 = arith.cmpf oeq, %select_n3A_53, %eq3A_57 : vector<512x2048xf32>
    %jit3A_59 = arith.constant 2.048000e+03 : f32
    %broadcast_in_dim3A_60 = vector.shape_cast %get3A_27 : vector<1x2048xf32> to vector<1x2048xf32>
    %broadcast_in_dim3A_61 = vector.broadcast %broadcast_in_dim3A_60 : vector<1x2048xf32> to vector<512x2048xf32>
    %broadcast_in_dim3A_62 = vector.broadcast %jit3A_59 : f32 to vector<512x2048xf32>
    %select_n3A_63 = arith.select %eq3A_58, %broadcast_in_dim3A_61, %broadcast_in_dim3A_62 : vector<512x2048xi1>, vector<512x2048xf32>
    %reduce_min3A_64 = arith.constant dense<0x7F800000> : vector<512xf32>
    %reduce_min3A_65 = vector.multi_reduction <minimumf>, %select_n3A_63, %reduce_min3A_64 [1] : vector<512x2048xf32> to vector<512xf32>
    %broadcast_in_dim3A_66 = vector.shape_cast %reduce_min3A_65 : vector<512xf32> to vector<512x1xf32>
    %eq3A_67 = vector.broadcast %get3A_27 : vector<1x2048xf32> to vector<512x2048xf32>
    %eq3A_68 = vector.broadcast %broadcast_in_dim3A_66 : vector<512x1xf32> to vector<512x2048xf32>
    %eq3A_69 = arith.cmpf oeq, %eq3A_67, %eq3A_68 : vector<512x2048xf32>
    %jit3A_70 = arith.constant 0x7F800000 : f32
    %broadcast_in_dim3A_71 = vector.broadcast %jit3A_70 : f32 to vector<512x2048xf32>
    %select_n3A_72 = arith.select %eq3A_69, %broadcast_in_dim3A_71, %select_n3A_53 : vector<512x2048xi1>, vector<512x2048xf32>
    %reduce_min3A_73 = arith.constant dense<0x7F800000> : vector<512xf32>
    %reduce_min3A_74 = vector.multi_reduction <minimumf>, %select_n3A_72, %reduce_min3A_73 [1] : vector<512x2048xf32> to vector<512xf32>
    %broadcast_in_dim3A_75 = vector.shape_cast %reduce_min3A_74 : vector<512xf32> to vector<512x1xf32>
    %eq3A_76 = vector.broadcast %broadcast_in_dim3A_75 : vector<512x1xf32> to vector<512x2048xf32>
    %eq3A_77 = arith.cmpf oeq, %select_n3A_72, %eq3A_76 : vector<512x2048xf32>
    %jit3A_78 = arith.constant 2.048000e+03 : f32
    %broadcast_in_dim3A_79 = vector.shape_cast %get3A_27 : vector<1x2048xf32> to vector<1x2048xf32>
    %broadcast_in_dim3A_80 = vector.broadcast %broadcast_in_dim3A_79 : vector<1x2048xf32> to vector<512x2048xf32>
    %broadcast_in_dim3A_81 = vector.broadcast %jit3A_78 : f32 to vector<512x2048xf32>
    %select_n3A_82 = arith.select %eq3A_77, %broadcast_in_dim3A_80, %broadcast_in_dim3A_81 : vector<512x2048xi1>, vector<512x2048xf32>
    %reduce_min3A_83 = arith.constant dense<0x7F800000> : vector<512xf32>
    %reduce_min3A_84 = vector.multi_reduction <minimumf>, %select_n3A_82, %reduce_min3A_83 [1] : vector<512x2048xf32> to vector<512xf32>
    %broadcast_in_dim3A_85 = vector.shape_cast %reduce_min3A_84 : vector<512xf32> to vector<512x1xf32>
    %eq3A_86 = vector.broadcast %get3A_27 : vector<1x2048xf32> to vector<512x2048xf32>
    %eq3A_87 = vector.broadcast %broadcast_in_dim3A_85 : vector<512x1xf32> to vector<512x2048xf32>
    %eq3A_88 = arith.cmpf oeq, %eq3A_86, %eq3A_87 : vector<512x2048xf32>
    %jit3A_89 = arith.constant 0x7F800000 : f32
    %broadcast_in_dim3A_90 = vector.broadcast %jit3A_89 : f32 to vector<512x2048xf32>
    %select_n3A_91 = arith.select %eq3A_88, %broadcast_in_dim3A_90, %select_n3A_72 : vector<512x2048xi1>, vector<512x2048xf32>
    %reduce_min3A_92 = arith.constant dense<0x7F800000> : vector<512xf32>
    %reduce_min3A_93 = vector.multi_reduction <minimumf>, %select_n3A_91, %reduce_min3A_92 [1] : vector<512x2048xf32> to vector<512xf32>
    %broadcast_in_dim3A_94 = vector.shape_cast %reduce_min3A_93 : vector<512xf32> to vector<512x1xf32>
    %eq3A_95 = vector.broadcast %broadcast_in_dim3A_94 : vector<512x1xf32> to vector<512x2048xf32>
    %eq3A_96 = arith.cmpf oeq, %select_n3A_91, %eq3A_95 : vector<512x2048xf32>
    %jit3A_97 = arith.constant 2.048000e+03 : f32
    %broadcast_in_dim3A_98 = vector.shape_cast %get3A_27 : vector<1x2048xf32> to vector<1x2048xf32>
    %broadcast_in_dim3A_99 = vector.broadcast %broadcast_in_dim3A_98 : vector<1x2048xf32> to vector<512x2048xf32>
    %broadcast_in_dim3A_100 = vector.broadcast %jit3A_97 : f32 to vector<512x2048xf32>
    %select_n3A_101 = arith.select %eq3A_96, %broadcast_in_dim3A_99, %broadcast_in_dim3A_100 : vector<512x2048xi1>, vector<512x2048xf32>
    %reduce_min3A_102 = arith.constant dense<0x7F800000> : vector<512xf32>
    %reduce_min3A_103 = vector.multi_reduction <minimumf>, %select_n3A_101, %reduce_min3A_102 [1] : vector<512x2048xf32> to vector<512xf32>
    %broadcast_in_dim3A_104 = vector.shape_cast %reduce_min3A_103 : vector<512xf32> to vector<512x1xf32>
    %eq3A_105 = vector.broadcast %get3A_27 : vector<1x2048xf32> to vector<512x2048xf32>
    %eq3A_106 = vector.broadcast %broadcast_in_dim3A_104 : vector<512x1xf32> to vector<512x2048xf32>
    %eq3A_107 = arith.cmpf oeq, %eq3A_105, %eq3A_106 : vector<512x2048xf32>
    %jit3A_108 = arith.constant 0x7F800000 : f32
    %broadcast_in_dim3A_109 = vector.broadcast %jit3A_108 : f32 to vector<512x2048xf32>
    %select_n3A_110 = arith.select %eq3A_107, %broadcast_in_dim3A_109, %select_n3A_91 : vector<512x2048xi1>, vector<512x2048xf32>
    %reduce_min3A_111 = arith.constant dense<0x7F800000> : vector<512xf32>
    %reduce_min3A_112 = vector.multi_reduction <minimumf>, %select_n3A_110, %reduce_min3A_111 [1] : vector<512x2048xf32> to vector<512xf32>
    %broadcast_in_dim3A_113 = vector.shape_cast %reduce_min3A_112 : vector<512xf32> to vector<512x1xf32>
    %eq3A_114 = vector.broadcast %broadcast_in_dim3A_113 : vector<512x1xf32> to vector<512x2048xf32>
    %eq3A_115 = arith.cmpf oeq, %select_n3A_110, %eq3A_114 : vector<512x2048xf32>
    %jit3A_116 = arith.constant 2.048000e+03 : f32
    %broadcast_in_dim3A_117 = vector.shape_cast %get3A_27 : vector<1x2048xf32> to vector<1x2048xf32>
    %broadcast_in_dim3A_118 = vector.broadcast %broadcast_in_dim3A_117 : vector<1x2048xf32> to vector<512x2048xf32>
    %broadcast_in_dim3A_119 = vector.broadcast %jit3A_116 : f32 to vector<512x2048xf32>
    %select_n3A_120 = arith.select %eq3A_115, %broadcast_in_dim3A_118, %broadcast_in_dim3A_119 : vector<512x2048xi1>, vector<512x2048xf32>
    %reduce_min3A_121 = arith.constant dense<0x7F800000> : vector<512xf32>
    %reduce_min3A_122 = vector.multi_reduction <minimumf>, %select_n3A_120, %reduce_min3A_121 [1] : vector<512x2048xf32> to vector<512xf32>
    %broadcast_in_dim3A_123 = vector.shape_cast %reduce_min3A_122 : vector<512xf32> to vector<512x1xf32>
    %eq3A_124 = vector.broadcast %get3A_27 : vector<1x2048xf32> to vector<512x2048xf32>
    %eq3A_125 = vector.broadcast %broadcast_in_dim3A_123 : vector<512x1xf32> to vector<512x2048xf32>
    %eq3A_126 = arith.cmpf oeq, %eq3A_124, %eq3A_125 : vector<512x2048xf32>
    %jit3A_127 = arith.constant 0x7F800000 : f32
    %broadcast_in_dim3A_128 = vector.broadcast %jit3A_127 : f32 to vector<512x2048xf32>
    %select_n3A_129 = arith.select %eq3A_126, %broadcast_in_dim3A_128, %select_n3A_110 : vector<512x2048xi1>, vector<512x2048xf32>
    %reduce_min3A_130 = arith.constant dense<0x7F800000> : vector<512xf32>
    %reduce_min3A_131 = vector.multi_reduction <minimumf>, %select_n3A_129, %reduce_min3A_130 [1] : vector<512x2048xf32> to vector<512xf32>
    %broadcast_in_dim3A_132 = vector.shape_cast %reduce_min3A_131 : vector<512xf32> to vector<512x1xf32>
    %eq3A_133 = vector.broadcast %broadcast_in_dim3A_132 : vector<512x1xf32> to vector<512x2048xf32>
    %eq3A_134 = arith.cmpf oeq, %select_n3A_129, %eq3A_133 : vector<512x2048xf32>
    %jit3A_135 = arith.constant 2.048000e+03 : f32
    %broadcast_in_dim3A_136 = vector.shape_cast %get3A_27 : vector<1x2048xf32> to vector<1x2048xf32>
    %broadcast_in_dim3A_137 = vector.broadcast %broadcast_in_dim3A_136 : vector<1x2048xf32> to vector<512x2048xf32>
    %broadcast_in_dim3A_138 = vector.broadcast %jit3A_135 : f32 to vector<512x2048xf32>
    %select_n3A_139 = arith.select %eq3A_134, %broadcast_in_dim3A_137, %broadcast_in_dim3A_138 : vector<512x2048xi1>, vector<512x2048xf32>
    %reduce_min3A_140 = arith.constant dense<0x7F800000> : vector<512xf32>
    %reduce_min3A_141 = vector.multi_reduction <minimumf>, %select_n3A_139, %reduce_min3A_140 [1] : vector<512x2048xf32> to vector<512xf32>
    %broadcast_in_dim3A_142 = vector.shape_cast %reduce_min3A_141 : vector<512xf32> to vector<512x1xf32>
    %eq3A_143 = vector.broadcast %get3A_27 : vector<1x2048xf32> to vector<512x2048xf32>
    %eq3A_144 = vector.broadcast %broadcast_in_dim3A_142 : vector<512x1xf32> to vector<512x2048xf32>
    %eq3A_145 = arith.cmpf oeq, %eq3A_143, %eq3A_144 : vector<512x2048xf32>
    %jit3A_146 = arith.constant 0x7F800000 : f32
    %broadcast_in_dim3A_147 = vector.broadcast %jit3A_146 : f32 to vector<512x2048xf32>
    %select_n3A_148 = arith.select %eq3A_145, %broadcast_in_dim3A_147, %select_n3A_129 : vector<512x2048xi1>, vector<512x2048xf32>
    %reduce_min3A_149 = arith.constant dense<0x7F800000> : vector<512xf32>
    %reduce_min3A_150 = vector.multi_reduction <minimumf>, %select_n3A_148, %reduce_min3A_149 [1] : vector<512x2048xf32> to vector<512xf32>
    %broadcast_in_dim3A_151 = vector.shape_cast %reduce_min3A_150 : vector<512xf32> to vector<512x1xf32>
    %eq3A_152 = vector.broadcast %broadcast_in_dim3A_151 : vector<512x1xf32> to vector<512x2048xf32>
    %eq3A_153 = arith.cmpf oeq, %select_n3A_148, %eq3A_152 : vector<512x2048xf32>
    %jit3A_154 = arith.constant 2.048000e+03 : f32
    %broadcast_in_dim3A_155 = vector.shape_cast %get3A_27 : vector<1x2048xf32> to vector<1x2048xf32>
    %broadcast_in_dim3A_156 = vector.broadcast %broadcast_in_dim3A_155 : vector<1x2048xf32> to vector<512x2048xf32>
    %broadcast_in_dim3A_157 = vector.broadcast %jit3A_154 : f32 to vector<512x2048xf32>
    %select_n3A_158 = arith.select %eq3A_153, %broadcast_in_dim3A_156, %broadcast_in_dim3A_157 : vector<512x2048xi1>, vector<512x2048xf32>
    %reduce_min3A_159 = arith.constant dense<0x7F800000> : vector<512xf32>
    %reduce_min3A_160 = vector.multi_reduction <minimumf>, %select_n3A_158, %reduce_min3A_159 [1] : vector<512x2048xf32> to vector<512xf32>
    %broadcast_in_dim3A_161 = vector.shape_cast %reduce_min3A_160 : vector<512xf32> to vector<512x1xf32>
    %eq3A_162 = vector.broadcast %get3A_27 : vector<1x2048xf32> to vector<512x2048xf32>
    %eq3A_163 = vector.broadcast %broadcast_in_dim3A_161 : vector<512x1xf32> to vector<512x2048xf32>
    %eq3A_164 = arith.cmpf oeq, %eq3A_162, %eq3A_163 : vector<512x2048xf32>
    %jit3A_165 = arith.constant 0x7F800000 : f32
    %broadcast_in_dim3A_166 = vector.broadcast %jit3A_165 : f32 to vector<512x2048xf32>
    %select_n3A_167 = arith.select %eq3A_164, %broadcast_in_dim3A_166, %select_n3A_148 : vector<512x2048xi1>, vector<512x2048xf32>
    %reduce_min3A_168 = arith.constant dense<0x7F800000> : vector<512xf32>
    %reduce_min3A_169 = vector.multi_reduction <minimumf>, %select_n3A_167, %reduce_min3A_168 [1] : vector<512x2048xf32> to vector<512xf32>
    %broadcast_in_dim3A_170 = vector.shape_cast %reduce_min3A_169 : vector<512xf32> to vector<512x1xf32>
    %eq3A_171 = vector.broadcast %broadcast_in_dim3A_170 : vector<512x1xf32> to vector<512x2048xf32>
    %eq3A_172 = arith.cmpf oeq, %select_n3A_167, %eq3A_171 : vector<512x2048xf32>
    %jit3A_173 = arith.constant 2.048000e+03 : f32
    %broadcast_in_dim3A_174 = vector.shape_cast %get3A_27 : vector<1x2048xf32> to vector<1x2048xf32>
    %broadcast_in_dim3A_175 = vector.broadcast %broadcast_in_dim3A_174 : vector<1x2048xf32> to vector<512x2048xf32>
    %broadcast_in_dim3A_176 = vector.broadcast %jit3A_173 : f32 to vector<512x2048xf32>
    %select_n3A_177 = arith.select %eq3A_172, %broadcast_in_dim3A_175, %broadcast_in_dim3A_176 : vector<512x2048xi1>, vector<512x2048xf32>
    %reduce_min3A_178 = arith.constant dense<0x7F800000> : vector<512xf32>
    %reduce_min3A_179 = vector.multi_reduction <minimumf>, %select_n3A_177, %reduce_min3A_178 [1] : vector<512x2048xf32> to vector<512xf32>
    %broadcast_in_dim3A_180 = vector.shape_cast %reduce_min3A_179 : vector<512xf32> to vector<512x1xf32>
    %eq3A_181 = vector.broadcast %get3A_27 : vector<1x2048xf32> to vector<512x2048xf32>
    %eq3A_182 = vector.broadcast %broadcast_in_dim3A_180 : vector<512x1xf32> to vector<512x2048xf32>
    %eq3A_183 = arith.cmpf oeq, %eq3A_181, %eq3A_182 : vector<512x2048xf32>
    %jit3A_184 = arith.constant 0x7F800000 : f32
    %broadcast_in_dim3A_185 = vector.broadcast %jit3A_184 : f32 to vector<512x2048xf32>
    %select_n3A_186 = arith.select %eq3A_183, %broadcast_in_dim3A_185, %select_n3A_167 : vector<512x2048xi1>, vector<512x2048xf32>
    %reduce_min3A_187 = arith.constant dense<0x7F800000> : vector<512xf32>
    %reduce_min3A_188 = vector.multi_reduction <minimumf>, %select_n3A_186, %reduce_min3A_187 [1] : vector<512x2048xf32> to vector<512xf32>
    %broadcast_in_dim3A_189 = vector.shape_cast %reduce_min3A_188 : vector<512xf32> to vector<512x1xf32>
    %eq3A_190 = vector.broadcast %broadcast_in_dim3A_189 : vector<512x1xf32> to vector<512x2048xf32>
    %eq3A_191 = arith.cmpf oeq, %select_n3A_186, %eq3A_190 : vector<512x2048xf32>
    %jit3A_192 = arith.constant 2.048000e+03 : f32
    %broadcast_in_dim3A_193 = vector.shape_cast %get3A_27 : vector<1x2048xf32> to vector<1x2048xf32>
    %broadcast_in_dim3A_194 = vector.broadcast %broadcast_in_dim3A_193 : vector<1x2048xf32> to vector<512x2048xf32>
    %broadcast_in_dim3A_195 = vector.broadcast %jit3A_192 : f32 to vector<512x2048xf32>
    %select_n3A_196 = arith.select %eq3A_191, %broadcast_in_dim3A_194, %broadcast_in_dim3A_195 : vector<512x2048xi1>, vector<512x2048xf32>
    %reduce_min3A_197 = arith.constant dense<0x7F800000> : vector<512xf32>
    %reduce_min3A_198 = vector.multi_reduction <minimumf>, %select_n3A_196, %reduce_min3A_197 [1] : vector<512x2048xf32> to vector<512xf32>
    %broadcast_in_dim3A_199 = vector.shape_cast %reduce_min3A_198 : vector<512xf32> to vector<512x1xf32>
    %eq3A_200 = vector.broadcast %get3A_27 : vector<1x2048xf32> to vector<512x2048xf32>
    %eq3A_201 = vector.broadcast %broadcast_in_dim3A_199 : vector<512x1xf32> to vector<512x2048xf32>
    %eq3A_202 = arith.cmpf oeq, %eq3A_200, %eq3A_201 : vector<512x2048xf32>
    %jit3A_203 = arith.constant 0x7F800000 : f32
    %broadcast_in_dim3A_204 = vector.broadcast %jit3A_203 : f32 to vector<512x2048xf32>
    %select_n3A_205 = arith.select %eq3A_202, %broadcast_in_dim3A_204, %select_n3A_186 : vector<512x2048xi1>, vector<512x2048xf32>
    %reduce_min3A_206 = arith.constant dense<0x7F800000> : vector<512xf32>
    %reduce_min3A_207 = vector.multi_reduction <minimumf>, %select_n3A_205, %reduce_min3A_206 [1] : vector<512x2048xf32> to vector<512xf32>
    %broadcast_in_dim3A_208 = vector.shape_cast %reduce_min3A_207 : vector<512xf32> to vector<512x1xf32>
    %eq3A_209 = vector.broadcast %broadcast_in_dim3A_208 : vector<512x1xf32> to vector<512x2048xf32>
    %eq3A_210 = arith.cmpf oeq, %select_n3A_205, %eq3A_209 : vector<512x2048xf32>
    %jit3A_211 = arith.constant 2.048000e+03 : f32
    %broadcast_in_dim3A_212 = vector.shape_cast %get3A_27 : vector<1x2048xf32> to vector<1x2048xf32>
    %broadcast_in_dim3A_213 = vector.broadcast %broadcast_in_dim3A_212 : vector<1x2048xf32> to vector<512x2048xf32>
    %broadcast_in_dim3A_214 = vector.broadcast %jit3A_211 : f32 to vector<512x2048xf32>
    %select_n3A_215 = arith.select %eq3A_210, %broadcast_in_dim3A_213, %broadcast_in_dim3A_214 : vector<512x2048xi1>, vector<512x2048xf32>
    %reduce_min3A_216 = arith.constant dense<0x7F800000> : vector<512xf32>
    %reduce_min3A_217 = vector.multi_reduction <minimumf>, %select_n3A_215, %reduce_min3A_216 [1] : vector<512x2048xf32> to vector<512xf32>
    %broadcast_in_dim3A_218 = vector.shape_cast %reduce_min3A_217 : vector<512xf32> to vector<512x1xf32>
    %eq3A_219 = vector.broadcast %get3A_27 : vector<1x2048xf32> to vector<512x2048xf32>
    %eq3A_220 = vector.broadcast %broadcast_in_dim3A_218 : vector<512x1xf32> to vector<512x2048xf32>
    %eq3A_221 = arith.cmpf oeq, %eq3A_219, %eq3A_220 : vector<512x2048xf32>
    %jit3A_222 = arith.constant 0x7F800000 : f32
    %broadcast_in_dim3A_223 = vector.broadcast %jit3A_222 : f32 to vector<512x2048xf32>
    %select_n3A_224 = arith.select %eq3A_221, %broadcast_in_dim3A_223, %select_n3A_205 : vector<512x2048xi1>, vector<512x2048xf32>
    %reduce_min3A_225 = arith.constant dense<0x7F800000> : vector<512xf32>
    %reduce_min3A_226 = vector.multi_reduction <minimumf>, %select_n3A_224, %reduce_min3A_225 [1] : vector<512x2048xf32> to vector<512xf32>
    %broadcast_in_dim3A_227 = vector.shape_cast %reduce_min3A_226 : vector<512xf32> to vector<512x1xf32>
    %eq3A_228 = vector.broadcast %broadcast_in_dim3A_227 : vector<512x1xf32> to vector<512x2048xf32>
    %eq3A_229 = arith.cmpf oeq, %select_n3A_224, %eq3A_228 : vector<512x2048xf32>
    %jit3A_230 = arith.constant 2.048000e+03 : f32
    %broadcast_in_dim3A_231 = vector.shape_cast %get3A_27 : vector<1x2048xf32> to vector<1x2048xf32>
    %broadcast_in_dim3A_232 = vector.broadcast %broadcast_in_dim3A_231 : vector<1x2048xf32> to vector<512x2048xf32>
    %broadcast_in_dim3A_233 = vector.broadcast %jit3A_230 : f32 to vector<512x2048xf32>
    %select_n3A_234 = arith.select %eq3A_229, %broadcast_in_dim3A_232, %broadcast_in_dim3A_233 : vector<512x2048xi1>, vector<512x2048xf32>
    %reduce_min3A_235 = arith.constant dense<0x7F800000> : vector<512xf32>
    %reduce_min3A_236 = vector.multi_reduction <minimumf>, %select_n3A_234, %reduce_min3A_235 [1] : vector<512x2048xf32> to vector<512xf32>
    %broadcast_in_dim3A_237 = vector.shape_cast %reduce_min3A_236 : vector<512xf32> to vector<512x1xf32>
    %eq3A_238 = vector.broadcast %get3A_27 : vector<1x2048xf32> to vector<512x2048xf32>
    %eq3A_239 = vector.broadcast %broadcast_in_dim3A_237 : vector<512x1xf32> to vector<512x2048xf32>
    %eq3A_240 = arith.cmpf oeq, %eq3A_238, %eq3A_239 : vector<512x2048xf32>
    %jit3A_241 = arith.constant 0x7F800000 : f32
    %broadcast_in_dim3A_242 = vector.broadcast %jit3A_241 : f32 to vector<512x2048xf32>
    %select_n3A_243 = arith.select %eq3A_240, %broadcast_in_dim3A_242, %select_n3A_224 : vector<512x2048xi1>, vector<512x2048xf32>
    %reduce_min3A_244 = arith.constant dense<0x7F800000> : vector<512xf32>
    %reduce_min3A_245 = vector.multi_reduction <minimumf>, %select_n3A_243, %reduce_min3A_244 [1] : vector<512x2048xf32> to vector<512xf32>
    %broadcast_in_dim3A_246 = vector.shape_cast %reduce_min3A_245 : vector<512xf32> to vector<512x1xf32>
    %eq3A_247 = vector.broadcast %broadcast_in_dim3A_246 : vector<512x1xf32> to vector<512x2048xf32>
    %eq3A_248 = arith.cmpf oeq, %select_n3A_243, %eq3A_247 : vector<512x2048xf32>
    %jit3A_249 = arith.constant 2.048000e+03 : f32
    %broadcast_in_dim3A_250 = vector.shape_cast %get3A_27 : vector<1x2048xf32> to vector<1x2048xf32>
    %broadcast_in_dim3A_251 = vector.broadcast %broadcast_in_dim3A_250 : vector<1x2048xf32> to vector<512x2048xf32>
    %broadcast_in_dim3A_252 = vector.broadcast %jit3A_249 : f32 to vector<512x2048xf32>
    %select_n3A_253 = arith.select %eq3A_248, %broadcast_in_dim3A_251, %broadcast_in_dim3A_252 : vector<512x2048xi1>, vector<512x2048xf32>
    %reduce_min3A_254 = arith.constant dense<0x7F800000> : vector<512xf32>
    %reduce_min3A_255 = vector.multi_reduction <minimumf>, %select_n3A_253, %reduce_min3A_254 [1] : vector<512x2048xf32> to vector<512xf32>
    %broadcast_in_dim3A_256 = vector.shape_cast %reduce_min3A_255 : vector<512xf32> to vector<512x1xf32>
    %eq3A_257 = vector.broadcast %get3A_27 : vector<1x2048xf32> to vector<512x2048xf32>
    %eq3A_258 = vector.broadcast %broadcast_in_dim3A_256 : vector<512x1xf32> to vector<512x2048xf32>
    %eq3A_259 = arith.cmpf oeq, %eq3A_257, %eq3A_258 : vector<512x2048xf32>
    %jit3A_260 = arith.constant 0x7F800000 : f32
    %broadcast_in_dim3A_261 = vector.broadcast %jit3A_260 : f32 to vector<512x2048xf32>
    %select_n3A_262 = arith.select %eq3A_259, %broadcast_in_dim3A_261, %select_n3A_243 : vector<512x2048xi1>, vector<512x2048xf32>
    %reduce_min3A_263 = arith.constant dense<0x7F800000> : vector<512xf32>
    %reduce_min3A_264 = vector.multi_reduction <minimumf>, %select_n3A_262, %reduce_min3A_263 [1] : vector<512x2048xf32> to vector<512xf32>
    %broadcast_in_dim3A_265 = vector.shape_cast %reduce_min3A_264 : vector<512xf32> to vector<512x1xf32>
    %eq3A_266 = vector.broadcast %broadcast_in_dim3A_265 : vector<512x1xf32> to vector<512x2048xf32>
    %eq3A_267 = arith.cmpf oeq, %select_n3A_262, %eq3A_266 : vector<512x2048xf32>
    %jit3A_268 = arith.constant 2.048000e+03 : f32
    %broadcast_in_dim3A_269 = vector.shape_cast %get3A_27 : vector<1x2048xf32> to vector<1x2048xf32>
    %broadcast_in_dim3A_270 = vector.broadcast %broadcast_in_dim3A_269 : vector<1x2048xf32> to vector<512x2048xf32>
    %broadcast_in_dim3A_271 = vector.broadcast %jit3A_268 : f32 to vector<512x2048xf32>
    %select_n3A_272 = arith.select %eq3A_267, %broadcast_in_dim3A_270, %broadcast_in_dim3A_271 : vector<512x2048xi1>, vector<512x2048xf32>
    %reduce_min3A_273 = arith.constant dense<0x7F800000> : vector<512xf32>
    %reduce_min3A_274 = vector.multi_reduction <minimumf>, %select_n3A_272, %reduce_min3A_273 [1] : vector<512x2048xf32> to vector<512xf32>
    %broadcast_in_dim3A_275 = vector.shape_cast %reduce_min3A_274 : vector<512xf32> to vector<512x1xf32>
    %eq3A_276 = vector.broadcast %get3A_27 : vector<1x2048xf32> to vector<512x2048xf32>
    %eq3A_277 = vector.broadcast %broadcast_in_dim3A_275 : vector<512x1xf32> to vector<512x2048xf32>
    %eq3A_278 = arith.cmpf oeq, %eq3A_276, %eq3A_277 : vector<512x2048xf32>
    %jit3A_279 = arith.constant 0x7F800000 : f32
    %broadcast_in_dim3A_280 = vector.broadcast %jit3A_279 : f32 to vector<512x2048xf32>
    %select_n3A_281 = arith.select %eq3A_278, %broadcast_in_dim3A_280, %select_n3A_262 : vector<512x2048xi1>, vector<512x2048xf32>
    %reduce_min3A_282 = arith.constant dense<0x7F800000> : vector<512xf32>
    %reduce_min3A_283 = vector.multi_reduction <minimumf>, %select_n3A_281, %reduce_min3A_282 [1] : vector<512x2048xf32> to vector<512xf32>
    %broadcast_in_dim3A_284 = vector.shape_cast %reduce_min3A_283 : vector<512xf32> to vector<512x1xf32>
    %eq3A_285 = vector.broadcast %broadcast_in_dim3A_284 : vector<512x1xf32> to vector<512x2048xf32>
    %eq3A_286 = arith.cmpf oeq, %select_n3A_281, %eq3A_285 : vector<512x2048xf32>
    %jit3A_287 = arith.constant 2.048000e+03 : f32
    %broadcast_in_dim3A_288 = vector.shape_cast %get3A_27 : vector<1x2048xf32> to vector<1x2048xf32>
    %broadcast_in_dim3A_289 = vector.broadcast %broadcast_in_dim3A_288 : vector<1x2048xf32> to vector<512x2048xf32>
    %broadcast_in_dim3A_290 = vector.broadcast %jit3A_287 : f32 to vector<512x2048xf32>
    %select_n3A_291 = arith.select %eq3A_286, %broadcast_in_dim3A_289, %broadcast_in_dim3A_290 : vector<512x2048xi1>, vector<512x2048xf32>
    %reduce_min3A_292 = arith.constant dense<0x7F800000> : vector<512xf32>
    %reduce_min3A_293 = vector.multi_reduction <minimumf>, %select_n3A_291, %reduce_min3A_292 [1] : vector<512x2048xf32> to vector<512xf32>
    %broadcast_in_dim3A_294 = vector.shape_cast %reduce_min3A_293 : vector<512xf32> to vector<512x1xf32>
    %eq3A_295 = vector.broadcast %get3A_27 : vector<1x2048xf32> to vector<512x2048xf32>
    %eq3A_296 = vector.broadcast %broadcast_in_dim3A_294 : vector<512x1xf32> to vector<512x2048xf32>
    %eq3A_297 = arith.cmpf oeq, %eq3A_295, %eq3A_296 : vector<512x2048xf32>
    %jit3A_298 = arith.constant 0x7F800000 : f32
    %broadcast_in_dim3A_299 = vector.broadcast %jit3A_298 : f32 to vector<512x2048xf32>
    %select_n3A_300 = arith.select %eq3A_297, %broadcast_in_dim3A_299, %select_n3A_281 : vector<512x2048xi1>, vector<512x2048xf32>
    %reduce_min3A_301 = arith.constant dense<0x7F800000> : vector<512xf32>
    %reduce_min3A_302 = vector.multi_reduction <minimumf>, %select_n3A_300, %reduce_min3A_301 [1] : vector<512x2048xf32> to vector<512xf32>
    %broadcast_in_dim3A_303 = vector.shape_cast %reduce_min3A_302 : vector<512xf32> to vector<512x1xf32>
    %eq3A_304 = vector.broadcast %broadcast_in_dim3A_303 : vector<512x1xf32> to vector<512x2048xf32>
    %eq3A_305 = arith.cmpf oeq, %select_n3A_300, %eq3A_304 : vector<512x2048xf32>
    %jit3A_306 = arith.constant 2.048000e+03 : f32
    %broadcast_in_dim3A_307 = vector.shape_cast %get3A_27 : vector<1x2048xf32> to vector<1x2048xf32>
    %broadcast_in_dim3A_308 = vector.broadcast %broadcast_in_dim3A_307 : vector<1x2048xf32> to vector<512x2048xf32>
    %broadcast_in_dim3A_309 = vector.broadcast %jit3A_306 : f32 to vector<512x2048xf32>
    %select_n3A_310 = arith.select %eq3A_305, %broadcast_in_dim3A_308, %broadcast_in_dim3A_309 : vector<512x2048xi1>, vector<512x2048xf32>
    %reduce_min3A_311 = arith.constant dense<0x7F800000> : vector<512xf32>
    %reduce_min3A_312 = vector.multi_reduction <minimumf>, %select_n3A_310, %reduce_min3A_311 [1] : vector<512x2048xf32> to vector<512xf32>
    %broadcast_in_dim3A_313 = vector.shape_cast %reduce_min3A_312 : vector<512xf32> to vector<512x1xf32>
    %concatenate3A = tpu.concatenate %broadcast_in_dim3A_32, %broadcast_in_dim3A_37, %broadcast_in_dim3A_56, %broadcast_in_dim3A_75, %broadcast_in_dim3A_94, %broadcast_in_dim3A_113, %broadcast_in_dim3A_132, %broadcast_in_dim3A_151, %broadcast_in_dim3A_170, %broadcast_in_dim3A_189, %broadcast_in_dim3A_208, %broadcast_in_dim3A_227, %broadcast_in_dim3A_246, %broadcast_in_dim3A_265, %broadcast_in_dim3A_284, %broadcast_in_dim3A_303 in 1 : vector<512x1xf32>, vector<512x1xf32>, vector<512x1xf32>, vector<512x1xf32>, vector<512x1xf32>, vector<512x1xf32>, vector<512x1xf32>, vector<512x1xf32>, vector<512x1xf32>, vector<512x1xf32>, vector<512x1xf32>, vector<512x1xf32>, vector<512x1xf32>, vector<512x1xf32>, vector<512x1xf32>, vector<512x1xf32> -> vector<512x16xf32>
    %swap3A = arith.constant 0 : index
    %swap3A_314 = arith.constant 0 : index
    %swap3A_315 = arith.constant 0 : index
    %swap3A_316 = vector.load %arg5[%swap3A, %swap3A_314, %swap3A_315] : memref<1x512x16xf32, #tpu.memory_space<vmem>>, vector<1x512x16xf32>
    %swap3A_317 = vector.shape_cast %swap3A_316 : vector<1x512x16xf32> to vector<512x16xf32>
    %swap3A_318 = vector.shape_cast %concatenate3A : vector<512x16xf32> to vector<1x512x16xf32>
    tpu.vector_store %arg5[%swap3A, %swap3A_314, %swap3A_315], %swap3A_318 {strides = array<i32>} : memref<1x512x16xf32, #tpu.memory_space<vmem>>, vector<1x512x16xf32>,
    %concatenate3A_319 = tpu.concatenate %convert_element_type3A, %broadcast_in_dim3A_47, %broadcast_in_dim3A_66, %broadcast_in_dim3A_85, %broadcast_in_dim3A_104, %broadcast_in_dim3A_123, %broadcast_in_dim3A_142, %broadcast_in_dim3A_161, %broadcast_in_dim3A_180, %broadcast_in_dim3A_199, %broadcast_in_dim3A_218, %broadcast_in_dim3A_237, %broadcast_in_dim3A_256, %broadcast_in_dim3A_275, %broadcast_in_dim3A_294, %broadcast_in_dim3A_313 in 1 : vector<512x1xf32>, vector<512x1xf32>, vector<512x1xf32>, vector<512x1xf32>, vector<512x1xf32>, vector<512x1xf32>, vector<512x1xf32>, vector<512x1xf32>, vector<512x1xf32>, vector<512x1xf32>, vector<512x1xf32>, vector<512x1xf32>, vector<512x1xf32>, vector<512x1xf32>, vector<512x1xf32>, vector<512x1xf32> -> vector<512x16xf32>
    %convert_element_type3A_320 = arith.fptosi %concatenate3A_319 : vector<512x16xf32> to vector<512x16xi32>
    %mul3A_321 = arith.constant 2048 : i32
    %mul3A_322 = arith.muli %arg0, %mul3A_321 : i32
    %add3A_323 = vector.broadcast %mul3A_322 : i32 to vector<512x16xi32>
    %add3A_324 = arith.addi %convert_element_type3A_320, %add3A_323 : vector<512x16xi32>
    %swap3A_325 = arith.constant 0 : index
    %swap3A_326 = arith.constant 0 : index
    %swap3A_327 = arith.constant 0 : index
    %swap3A_328 = vector.load %arg6[%swap3A_325, %swap3A_326, %swap3A_327] : memref<1x512x16xi32, #tpu.memory_space<vmem>>, vector<1x512x16xi32>
    %swap3A_329 = vector.shape_cast %swap3A_328 : vector<1x512x16xi32> to vector<512x16xi32>
    %swap3A_330 = vector.shape_cast %add3A_324 : vector<512x16xi32> to vector<1x512x16xi32>
    tpu.vector_store %arg6[%swap3A_325, %swap3A_326, %swap3A_327], %swap3A_330 {strides = array<i32>} : memref<1x512x16xi32, #tpu.memory_space<vmem>>, vector<1x512x16xi32>,
    return
  }
  func.func @transform_0(%arg0: i32, %arg1: i32) -> (i32, i32, i32) {
    %c0_i32 = arith.constant 0 : i32
    %c0_i32_0 = arith.constant 0 : i32
    return %arg0, %arg1, %c0_i32 : i32, i32, i32
  }
  func.func @transform_1(%arg0: i32, %arg1: i32) -> (i32, i32, i32) {
    %c0_i32 = arith.constant 0 : i32
    %c0_i32_0 = arith.constant 0 : i32
    %c0_i32_1 = arith.constant 0 : i32
    return %arg0, %c0_i32, %c0_i32_0 : i32, i32, i32
  }
  func.func @transform_2(%arg0: i32, %arg1: i32) -> (i32, i32) {
    %c0_i32 = arith.constant 0 : i32
    %c0_i32_0 = arith.constant 0 : i32
    %c0_i32_1 = arith.constant 0 : i32
    return %c0_i32, %c0_i32_0 : i32, i32
  }
  func.func @transform_3(%arg0: i32, %arg1: i32) -> (i32, i32, i32) {
    %c0_i32 = arith.constant 0 : i32
    %c0_i32_0 = arith.constant 0 : i32
    return %arg0, %arg1, %c0_i32 : i32, i32, i32
  }
  func.func @transform_4(%arg0: i32, %arg1: i32) -> (i32, i32, i32) {
    %c0_i32 = arith.constant 0 : i32
    %c0_i32_0 = arith.constant 0 : i32
    return %arg0, %arg1, %c0_i32 : i32, i32, i32
  }
}

</mosaic_0001>

<sc_bundles>
// kernel: kernel.4.cloned.1.call-start
scs
__scs_entry_jumppad:
0x0: {  	(pc) =	sbr.rel $0x88, $3  }
0x1: {  	(tag) =	ssettag $0x0;
	lr =	simm.s32 $0x1  }
0x2: {  	[smem:$0x3F9E] =	sst lr;
	_ =	strace $0xD0000000  }
0x3: {  	_ = 	snop  }
0x4: {  	_ = 	snop  }
0x5: {  	_ = 	snop  }
0x6: {  	_ = 	snop  }
0x7: {  	_ = 	snop  }
__scs_overlays_trampoline_lowered:
0x8: {  	[smem:$0x3FAD] =	sst s0  }
0x9: {  	[smem:$0x3FAE] =	sst s1  }
0xa: {  	[smem:$0x3FAF] =	sst s2  }
0xb: {  	[smem:$0x3FB0] =	sst s3  }
0xc: {  	[smem:$0x3FB1] =	sst s4  }
0xd: {  	[smem:$0x3FB2] =	sst s5  }
0xe: {  	[smem:$0x3FB3] =	sst s6  }
0xf: {  	[smem:$0x3FB4] =	sst s7  }
0x10: {  	[smem:$0x3FB5] =	sst s8  }
0x11: {  	[smem:$0x3FB6] =	sst s9;
	s0 =	simm.s32 @!p0 $0x0  }
0x12: {  	s1 =	sld [smem:$0x3F9C];
	s0 =	simm.s32 @p0 $0x1  }
0x13: {  	[smem:$0x3FB7] =	sst s0;
	s0 =	simm.s32 @!p1 $0x0  }
0x14: {  	s2 =	sld [smem:$0x3F9B];
	s0 =	simm.s32 @p1 $0x1  }
0x15: {  	[smem:$0x3FB8] =	sst s0;
	s0 =	simm.s32 @!p2 $0x0  }
0x16: {  	s3 =	sld [smem:$0x3FDB];
	s0 =	simm.s32 @p2 $0x1  }
0x17: {  	s4 =	simm.s32 $0x1BF5;
	[smem:$0x3FBA] =	sst s0  }
0x18: {  	s0 =	sld [smem:$0x3F9D];
	_ =	swait.ge [sflag:s4], $0x0  }
0x19: {  	s7 =	sld [smem:$0x3F9E]  }
0x1a: {  	s8 =	sadd.s32 $0xFFFFE003, lr  }
0x1b: {  	s9 =	sadd.s32 $0xFFFFFEF7, lr;
	s5 =	simm.s32 $0xFFFFFFFF;
	p2 =	slt.u32 s8, $0xFFFFF086  }
0x1c: {  	p1 =	slt.u32 s9, $0xF7A;
	s5 =	simm.s32 @!p2 $0x0  }
0x1d: {  	s5 =	simm.s32 @p1 $0x1;
	p0 =	seq.s32 s7, s2  }
0x1e: {  	s7 =	smul.u32 @!p0 $0xF7A, s2;
	p2 =	seq.s32 @!p0 s5, $0x0  }
0x1f: {  	s9 =	smul.u32 $0xF7A, s1;
	s8 =	simm.s32 @!p0 $0x1BF5;
	p2 =	por !p2, p0  }
0x20: {  	[sflag:s8] =	ssyncset.s32 @!p0 $0xFFFFF086;
	s6 =	sadd.s32 @!p0 s3, s7;
	s7 =	simm.s32 @!p0 $0x108  }
0x21: {  	s3 =	sadd.s32 s3, s9;
	s6 =	sadd.s32 @!p0 $0x88, s6;
	s7 =	simm.s32 @p2 $0x1082  }
0x22: {  	[simem:s7], [sflag:s8] =	dma.local @!p0 [hbm:s6], $0xF7A  }
0x23: {  	s9 =	sor.u32 $0xD0000000, s2;
	s6 =	simm.s32 $0x108;
	_ =	swait.ge @!p0 [sflag:s8], $0x0  }
0x24: {  	s3 =	sadd.s32 $0x88, s3;
	s6 =	simm.s32 @!p1 $0x1082;
	[sflag:s4] =	ssyncset.s32 $0xFFFFF086  }
0x25: {  	[simem:s6], [sflag:s4] =	dma.local [hbm:s3], $0xF7A  }
0x26: {  	[smem:$0x3F9E] =	sst s1;
	(tag) =	ssettag s2;
	_ =	strace s9  }
0x27: {  	s1 =	sld [smem:$0x3FAE]  }
0x28: {  	s2 =	sld [smem:$0x3FAF]  }
0x29: {  	s4 =	sld [smem:$0x3FB1]  }
0x2a: {  	p0 =	seq.s32 s5, $0x0;
	s5 =	sld [smem:$0x3FB2]  }
0x2b: {  	s6 =	sld [smem:$0x3FB3]  }
0x2c: {  	s7 =	sld [smem:$0x3FB4]  }
0x2d: {  	s3 =	simm.s32 $0x108;
	s8 =	sld [smem:$0x3FB5]  }
0x2e: {  	s3 =	simm.s32 @!p0 $0x1082;
	s9 =	sld [smem:$0x3FB6]  }
0x2f: {  	lr =	sadd.s32 s0, s3;
	s0 =	sld [smem:$0x3FAD]  }
0x30: {  	s3 =	sld [smem:$0x3FB0]  }
0x31: {  	[smem:$0x3FB9] =	sst s10  }
0x32: {  	s10 =	sld [smem:$0x3FB7];
	_ =	sdelay $0x3  }
0x33: {  	p0 =	seq.s32 s10, $0x1;
	s10 =	sld [smem:$0x3FB9];
	_ =	sdelay $0x3  }
0x34: {  	[smem:$0x3FB9] =	sst s10  }
0x35: {  	s10 =	sld [smem:$0x3FB8];
	_ =	sdelay $0x3  }
0x36: {  	p1 =	seq.s32 s10, $0x1;
	s10 =	sld [smem:$0x3FB9];
	_ =	sdelay $0x3  }
0x37: {  	[smem:$0x3FB9] =	sst s10  }
0x38: {  	s10 =	sld [smem:$0x3FBA]  }
0x39: {  	_ = 	snop;
	(pc) =	sbr.ind lr, $3  }
0x3a: {  	_ = 	snop  }
0x3b: {  	_ = 	snop  }
0x3c: {  	p2 =	seq.s32 s10, $0x1;
	s10 =	sld [smem:$0x3FB9]  }
0x3d: {  	_ =	shalt  }
0x3e: {  	_ =	shalt  }
0x3f: {  	_ =	shalt  }
0x40: {  	_ =	shalt  }
0x41: {  	_ =	shalt  }
0x42: {  	_ =	shalt  }
0x43: {  	_ =	shalt  }
0x44: {  	_ =	shalt  }
0x45: {  	_ =	shalt  }
0x46: {  	_ =	shalt  }
0x47: {  	_ =	shalt  }
0x48: {  	_ =	shalt  }
0x49: {  	_ =	shalt  }
0x4a: {  	_ =	shalt  }
0x4b: {  	_ =	shalt  }
0x4c: {  	_ =	shalt  }
0x4d: {  	_ =	shalt  }
0x4e: {  	_ =	shalt  }
0x4f: {  	_ =	shalt  }
0x50: {  	_ =	shalt  }
0x51: {  	_ =	shalt  }
0x52: {  	_ =	shalt  }
0x53: {  	_ =	shalt  }
0x54: {  	_ =	shalt  }
0x55: {  	_ =	shalt  }
0x56: {  	_ =	shalt  }
0x57: {  	_ =	shalt  }
0x58: {  	_ =	shalt  }
0x59: {  	_ =	shalt  }
0x5a: {  	_ =	shalt  }
0x5b: {  	_ =	shalt  }
0x5c: {  	_ =	shalt  }
0x5d: {  	_ =	shalt  }
0x5e: {  	_ =	shalt  }
0x5f: {  	_ =	shalt  }
0x60: {  	_ =	shalt  }
0x61: {  	_ =	shalt  }
0x62: {  	_ =	shalt  }
0x63: {  	_ =	shalt  }
0x64: {  	_ =	shalt  }
0x65: {  	_ =	shalt  }
0x66: {  	_ =	shalt  }
0x67: {  	_ =	shalt  }
0x68: {  	_ =	shalt  }
0x69: {  	_ =	shalt  }
0x6a: {  	_ =	shalt  }
0x6b: {  	_ =	shalt  }
0x6c: {  	_ =	shalt  }
0x6d: {  	_ =	shalt  }
0x6e: {  	_ =	shalt  }
0x6f: {  	_ =	shalt  }
0x70: {  	_ =	shalt  }
0x71: {  	_ =	shalt  }
0x72: {  	_ =	shalt  }
0x73: {  	_ =	shalt  }
0x74: {  	_ =	shalt  }
0x75: {  	_ =	shalt  }
0x76: {  	_ =	shalt  }
0x77: {  	_ =	shalt  }
0x78: {  	_ =	shalt  }
0x79: {  	_ =	shalt  }
0x7a: {  	_ =	shalt  }
0x7b: {  	_ =	shalt  }
0x7c: {  	_ =	shalt  }
0x7d: {  	_ =	shalt  }
0x7e: {  	_ =	shalt  }
0x7f: {  	_ =	shalt  }
0x80: {  	_ =	shalt  }
0x81: {  	_ =	shalt  }
0x82: {  	_ =	shalt  }
0x83: {  	_ =	shalt  }
0x84: {  	_ =	shalt  }
0x85: {  	_ =	shalt  }
0x86: {  	_ =	shalt  }
0x87: {  	_ =	shalt  }
.Lfunc_end0:
.L_simem_size_0:
called_computation_lowered:
.L_overlay_start_0:
0x88: {  	s2 =	sld [smem:$0x3FD9]  }
0x89: {  	s3 =	sld [smem:$0x3FFE];
	_ =	sdelay $0x1  }
0x8a: {  	s1 =	srdreg.scid  }
0x8b: {  	s0 =	sand.u32 $0x1, s1  }
0x8c: {  	s14 =	sshll.u32 s0, $0xA;
	s2 =	sadd.s32 s3, s2  }
0x8d: {  	s2 =	sadd.s32 s2, s14  }
0x8e: {  	[smem:$0x3FC5] =	sst s2  }
0x8f: {  	_ = 	snop  }
0x90: {  	s2 =	sld [smem:$0x3FD0];
	_ =	sdelay $0x2  }
0x91: {  	s4 =	simm.s32 $0xA;
	s5 =	simm.s32 $0x10;
	s15 =	sld [smem:$0x3FC7]  }
0x92: {  	[smem:s5], [sflag:s4] =	dma.local [hbm:s2], $0x1  }
0x93: {  	_ =	swait.eq [sflag:s4], $0x1  }
0x94: {  	[sflag:s4] =	ssyncset.done $0x0  }
0x95: {  	s16 =	sld [smem:$0x11];
	[sflag:s4] =	ssyncadd.s32 $0xFFFFFFFF  }
0x96: {  	s17 =	sld [smem:$0x12];
	(tm) =	ssettm $0x1  }
0x97: {  	s18 =	sld [smem:$0x3FFB];
	_ =	sdelay $0x3  }
0x98: {  	_ =	strace s18  }
0x99: {  	s5 =	sld [smem:$0x3FFC];
	_ =	sdelay $0x3  }
0x9a: {  	_ =	strace s5  }
0x9b: {  	s5 =	sld [smem:$0x3FFD];
	_ =	sdelay $0x3  }
0x9c: {  	_ =	strace s5  }
0x9d: {  	_ =	strace $0x8FFFFFFF  }
0x9e: {  	s19 =	sld [smem:$0x3FDB];
	_ =	sdelay $0x1  }
0x9f: {  	s6 =	simm.s32 $_scs_section_size  }
0xa0: {  	s7 =	simm.s32 $_size__tile_overlayer_lowered;
	s8 =	simm.s32 $_tile_overlayer_lowered  }
0xa1: {  	s22 =	simm.s32 $0x1BFF;
	s21 =	sshll.u32 s8, $0x1;
	s5 =	sadd.s32 s6, s19  }
0xa2: {  	s9 =	simm.s32 $0x0;
	s20 =	sshll.u32 s7, $0x1;
	s7 =	sadd.s32 s21, s5  }
0xa3: {  	[timem:s9], [sflag:s22] =	dma.local [hbm:s7], s20  }
0xa4: {  	_ =	swait.ge [sflag:s22], s20  }
0xa5: {  	s6 =	ssub.s32 $0x0, s20;
	[sflag:s22] =	ssyncset.done $0x0  }
0xa6: {  	[sflag:s22] =	ssyncadd.s32 s6;
	_ =	sdelay $0x1  }
0xa7: {  	s23 =	simm.s32 $0x1B8B  }
0xa8: {  	_ =	swait.ge [sflag:s23], $0x1  }
0xa9: {  	[sflag:s23] =	ssyncset.done $0x0  }
0xaa: {  	s25 =	simm.s32 $0x1B8E;
	s24 =	sld [smem:$0x3FFE];
	[sflag:s23] =	ssyncadd.s32 $0xFFFFFFFF  }
0xab: {  	s26 =	simm.s32 $execute0_lowered;
	[smem:$0x3FD2] =	sst s25  }
0xac: {  	s7 =	sshll.u32 s26, $0x1;
	_ =	strace $0x80000046;
	[dreg:$0x1] =	wrdreg $0xFFFFFFFF  }
0xad: {  	s28 =	simm.s32 $_size_execute0_lowered;
	s5 =	sadd.s32 s5, s7;
	[dreg:$0x0] =	wrdreg $0x0  }
0xae: {  	s7 =	sshll.u32 s28, $0x1;
	[dreg:$0x2] =	wrdreg s5  }
0xaf: {  	[dreg:$0x3] =	wrdreg s7  }
0xb0: {  	[dreg:$0x4] =	wrdreg $0xC0  }
0xb1: {  	_ =	task [dreg:s9], $0x5FFFF  }
0xb2: {  	[dreg:$0x1] =	wrdreg $0xFFFFFFFF  }
0xb3: {  	[dreg:$0x0] =	wrdreg $0x60  }
0xb4: {  	[dreg:$0x2] =	wrdreg s15  }
0xb5: {  	[dreg:$0x3] =	wrdreg s16  }
0xb6: {  	[dreg:$0x4] =	wrdreg s24  }
0xb7: {  	[dreg:$0x5] =	wrdreg s17  }
0xb8: {  	[dreg:$0x6] =	wrdreg $0x9  }
0xb9: {  	_ =	task.clear_ibuf [dreg:s9], $0x7FFFF;
	_ =	strace $0x90000046  }
0xba: {  	s29 =	simm.s32 $0x9;
	_ =	strace $0x80000048  }
0xbb: {  	_ =	swait.ge [sflag:s29], $0x1  }
0xbc: {  	[sflag:s29] =	ssyncadd.s32 $0xFFFFFFFF  }
0xbd: {  	_ =	strace $0x90000048  }
0xbe: {  	_ =	sfence  }
0xbf: {  	s30 =	sld [smem:$0x0];
	_ =	sdelay $0x2  }
0xc0: {  	s31 =	sshll.u32 s1, $0xD;
	s1 =	sshrl.u32 s1, $0x2  }
0xc1: {  	s3 =	sand.u32 $0x4000, s31;
	s1 =	sadd.s32 s1, s30  }
0xc2: {  	s0 =	sor.u32 s3, s0;
	s1 =	sshll.u32 s1, $0x11  }
0xc3: {  	s0 =	sor.u32 s1, s0  }
0xc4: {  	s0 =	sadd.s32 $0x8F2B, s0  }
0xc5: {  	[sflag:s0] =	ssyncadd.remote.s32 $0x1  }
0xc6: {  	_ =	sfence.sel $0xFFFF  }
0xc7: {  	[dreg:$0x0] =	wrdreg $0xFFFFFFFF;
	(pc) =	sbr.abs _section_cstart, $3  }
0xc8: {  	[dreg:$0x1] =	wrdreg $0xFFFFFFFF  }
0xc9: {  	_ =	task.clear_ibuf [dreg:s9], $0x2FFFF;
	_ =	strace $0x9FFFFFFF  }
0xca: {  	(tm) =	ssettm $0x7FFFFFFF  }
0xcb: {  	_ =	shalt  }
tec
execute0_lowered:
.L_overlay_start_1:
0x0: {  	(tag) =	ssettag $0x1  }
0x1: {  	s1 =	rddreg [dreg:$0x0]  }
0x2: {  	s0 =	rddreg [dreg:$0x1]  }
0x3: {  	s2 =	rddreg [dreg:$0x2]  }
0x4: {  	s4 =	rddreg [dreg:$0x3];
	s3 =	simm.s32 $0x0  }
0x5: {  	s5 =	srdreg.scid;
	s10 =	stileid.u32;
	s28 =	simm.s32 $0x100  }
0x6: {  	s29 =	simm.s32 $0x1000;
	s30 =	simm.s32 $0x9000;
	s31 =	simm.s32 $0x1  }
0x7: {  	[smem:$0x7FF] =	sst s3;
	s6 =	sand.u32 $0x1, s5;
	s7 =	sadd.s32 $0xC00, s2  }
0x8: {  	s25 =	sshll.u32 s10, $0x1;
	_ =	strace $0x80000047;
	[dreg:$0x5] =	wrdreg s7  }
0x9: {  	s5 =	sor.u32 s6, s25;
	s8 =	ssub.s32 $0x2, s6;
	s25 =	sshll.u32 s10, $0x9  }
0xa: {  	s7 =	simm.s32 $0x0;
	s26 =	sshll.u32 s5, $0x9;
	s5 =	sshll.u32 s5, $0x10  }
0xb: {  	s9 =	sshrl.u32 s8, $0x1;
	s2 =	sadd.s32 s26, s2;
	s5 =	sadd.s32 s4, s5  }
0xc: {  	s11 =	ssub.s32 s8, s9;
	s0 =	sadd.s32 s0, s26;
	s26 =	sshll.u32 s6, $0x8  }
0xd: {  	s4 =	simm.s32 $0x4;
	s6 =	simm.s32 $0x5;
	[dreg:$0x6] =	wrdreg s0  }
0xe: {  	s20 =	sadd.s32 $0x1000, s5;
	s21 =	sadd.s32 $0x2000, s5;
	s22 =	sadd.s32 $0x3000, s5  }
0xf: {  	s23 =	sadd.s32 $0x4000, s5;
	s24 =	sadd.s32 $0x5000, s5;
	s12 =	sadd.s32 $0x6000, s5  }
0x10: {  	s13 =	sadd.s32 $0x7000, s5;
	s14 =	sadd.s32 $0x8000, s5;
	s15 =	sadd.s32 $0x9000, s5  }
0x11: {  	s16 =	sadd.s32 $0xA000, s5;
	s17 =	sadd.s32 $0xB000, s5;
	[dreg:$0x7] =	wrdreg s20  }
0x12: {  	s18 =	sadd.s32 $0xC000, s5;
	s19 =	sadd.s32 $0xD000, s5;
	[dreg:$0x8] =	wrdreg s21  }
0x13: {  	s10 =	sor.u32 s26, s25;
	s25 =	simm.s32 $0x6;
	[dreg:$0x9] =	wrdreg s22  }
0x14: {  	s26 =	simm.s32 $0x11000;
	s0 =	simm.s32 $0x3;
	[dreg:$0xa] =	wrdreg s23  }
0x15: {  	[dreg:$0xb] =	wrdreg s24;
	s20 =	sadd.s32 $0xE000, s5;
	s21 =	sadd.s32 $0xF000, s5  }
0x16: {  	s22 =	sadd.s32 $0x1000, s2;
	s23 =	smax.u32 s11, $0x1;
	s2 =	simm.s32 $0x2  }
.LBB2_1:
0x17: {  	s8 =	rddreg [dreg:$0x6]  }
0x18: {  	[tilespmem:s3], [sflag:$0x6] =	stream.linear.gather [hbm4b:s8+s3], $0x1000, $0x38;
	[tilespmem:$0x14000] =	vst v63  }
0x19: {  	_ =	swait.ge [sflag:s25], $0x1000  }
0x1a: {  	[sflag:s25] =	ssyncset.done $0x0  }
0x1b: {  	s11 =	rddreg [dreg:$0x5];
	[sflag:s25] =	ssyncadd.s32 $0xFFFFF000  }
0x1c: {  	[tilespmem:s26], [sflag:$0x5] =	stream.linear.gather [hbm4b:s11+s3], $0x2000, $0x38;
	[tilespmem:$0x14000] =	vst v63  }
0x1d: {  	_ = 	snop  }
0x1e: {  	[tilespmem:s29], [sflag:$0x1] =	stream.indirect.gather [hbm4b:s1+s28], $0x80, s3, s28, $0xb8;
	[tilespmem:$0x14000] =	vst v63  }
0x1f: {  	_ = 	snop  }
0x20: {  	[tilespmem:s30], [sflag:$0x2] =	stream.indirect.gather [hbm4b:s1+s28], $0x80, s28, s28, $0xb8;
	[tilespmem:$0x14000] =	vst v63  }
0x21: {  	_ =	swait.ge [sflag:s31], $0x8000  }
0x22: {  	[sflag:s31] =	ssyncset.done $0x0  }
0x23: {  	[sflag:s31] =	ssyncadd.s32 $0xFFFF8000  }
0x24: {  	[hbm4b:s5+s3] =	stream.linear.scatter [tilespmem:s29], [sflag:$0x3], $0x8000, $0x38;
	[tilespmem:$0x14000] =	vst v63  }
0x25: {  	_ =	swait.ge [sflag:s0], $0x8000  }
0x26: {  	[sflag:s0] =	ssyncset.done $0x0  }
0x27: {  	s24 =	simm.s32 $0x200;
	[sflag:s0] =	ssyncadd.s32 $0xFFFF8000  }
0x28: {  	[tilespmem:s29], [sflag:$0x1] =	stream.indirect.gather [hbm4b:s1+s28], $0x80, s24, s28, $0xb8;
	[tilespmem:$0x14000] =	vst v63  }
0x29: {  	_ =	swait.ge [sflag:s2], $0x8000  }
0x2a: {  	[sflag:s2] =	ssyncset.done $0x0  }
0x2b: {  	s9 =	rddreg [dreg:$0x7];
	[sflag:s2] =	ssyncadd.s32 $0xFFFF8000  }
0x2c: {  	[hbm4b:s9+s3] =	stream.linear.scatter [tilespmem:s30], [sflag:$0x4], $0x8000, $0x38;
	[tilespmem:$0x14000] =	vst v63  }
0x2d: {  	_ =	swait.ge [sflag:s4], $0x8000  }
0x2e: {  	[sflag:s4] =	ssyncset.done $0x0  }
0x2f: {  	s11 =	simm.s32 $0x300;
	[sflag:s4] =	ssyncadd.s32 $0xFFFF8000  }
0x30: {  	[tilespmem:s30], [sflag:$0x2] =	stream.indirect.gather [hbm4b:s1+s28], $0x80, s11, s28, $0xb8;
	[tilespmem:$0x14000] =	vst v63  }
0x31: {  	_ =	swait.ge [sflag:s31], $0x8000  }
0x32: {  	[sflag:s31] =	ssyncset.done $0x0  }
0x33: {  	s24 =	rddreg [dreg:$0x8];
	[sflag:s31] =	ssyncadd.s32 $0xFFFF8000  }
0x34: {  	[hbm4b:s24+s3] =	stream.linear.scatter [tilespmem:s29], [sflag:$0x3], $0x8000, $0x38;
	[tilespmem:$0x14000] =	vst v63  }
0x35: {  	_ =	swait.ge [sflag:s0], $0x8000  }
0x36: {  	[sflag:s0] =	ssyncset.done $0x0  }
0x37: {  	s9 =	simm.s32 $0x400;
	[sflag:s0] =	ssyncadd.s32 $0xFFFF8000  }
0x38: {  	[tilespmem:s29], [sflag:$0x1] =	stream.indirect.gather [hbm4b:s1+s28], $0x80, s9, s28, $0xb8;
	[tilespmem:$0x14000] =	vst v63  }
0x39: {  	_ =	swait.ge [sflag:s2], $0x8000  }
0x3a: {  	[sflag:s2] =	ssyncset.done $0x0  }
0x3b: {  	s11 =	rddreg [dreg:$0x9];
	[sflag:s2] =	ssyncadd.s32 $0xFFFF8000  }
0x3c: {  	[hbm4b:s11+s3] =	stream.linear.scatter [tilespmem:s30], [sflag:$0x4], $0x8000, $0x38;
	[tilespmem:$0x14000] =	vst v63  }
0x3d: {  	_ =	swait.ge [sflag:s4], $0x8000  }
0x3e: {  	[sflag:s4] =	ssyncset.done $0x0  }
0x3f: {  	s24 =	simm.s32 $0x500;
	[sflag:s4] =	ssyncadd.s32 $0xFFFF8000  }
0x40: {  	[tilespmem:s30], [sflag:$0x2] =	stream.indirect.gather [hbm4b:s1+s28], $0x80, s24, s28, $0xb8;
	[tilespmem:$0x14000] =	vst v63  }
0x41: {  	_ =	swait.ge [sflag:s31], $0x8000  }
0x42: {  	[sflag:s31] =	ssyncset.done $0x0  }
0x43: {  	s9 =	rddreg [dreg:$0xa];
	[sflag:s31] =	ssyncadd.s32 $0xFFFF8000  }
0x44: {  	[hbm4b:s9+s3] =	stream.linear.scatter [tilespmem:s29], [sflag:$0x3], $0x8000, $0x38;
	[tilespmem:$0x14000] =	vst v63  }
0x45: {  	_ =	swait.ge [sflag:s0], $0x8000  }
0x46: {  	[sflag:s0] =	ssyncset.done $0x0  }
0x47: {  	s11 =	simm.s32 $0x600;
	[sflag:s0] =	ssyncadd.s32 $0xFFFF8000  }
0x48: {  	[tilespmem:s29], [sflag:$0x1] =	stream.indirect.gather [hbm4b:s1+s28], $0x80, s11, s28, $0xb8;
	[tilespmem:$0x14000] =	vst v63  }
0x49: {  	_ =	swait.ge [sflag:s2], $0x8000  }
0x4a: {  	[sflag:s2] =	ssyncset.done $0x0  }
0x4b: {  	s24 =	rddreg [dreg:$0xb];
	[sflag:s2] =	ssyncadd.s32 $0xFFFF8000  }
0x4c: {  	[hbm4b:s24+s3] =	stream.linear.scatter [tilespmem:s30], [sflag:$0x4], $0x8000, $0x38;
	[tilespmem:$0x14000] =	vst v63  }
0x4d: {  	_ =	swait.ge [sflag:s4], $0x8000  }
0x4e: {  	[sflag:s4] =	ssyncset.done $0x0  }
0x4f: {  	s9 =	simm.s32 $0x700;
	[sflag:s4] =	ssyncadd.s32 $0xFFFF8000  }
0x50: {  	[tilespmem:s30], [sflag:$0x2] =	stream.indirect.gather [hbm4b:s1+s28], $0x80, s9, s28, $0xb8;
	[tilespmem:$0x14000] =	vst v63  }
0x51: {  	_ =	swait.ge [sflag:s31], $0x8000  }
0x52: {  	[sflag:s31] =	ssyncset.done $0x0  }
0x53: {  	[sflag:s31] =	ssyncadd.s32 $0xFFFF8000  }
0x54: {  	[hbm4b:s12+s3] =	stream.linear.scatter [tilespmem:s29], [sflag:$0x3], $0x8000, $0x38;
	[tilespmem:$0x14000] =	vst v63  }
0x55: {  	_ =	swait.ge [sflag:s0], $0x8000  }
0x56: {  	[sflag:s0] =	ssyncset.done $0x0  }
0x57: {  	s11 =	simm.s32 $0x800;
	[sflag:s0] =	ssyncadd.s32 $0xFFFF8000  }
0x58: {  	[tilespmem:s29], [sflag:$0x1] =	stream.indirect.gather [hbm4b:s1+s28], $0x80, s11, s28, $0xb8;
	[tilespmem:$0x14000] =	vst v63  }
0x59: {  	_ =	swait.ge [sflag:s2], $0x8000  }
0x5a: {  	[sflag:s2] =	ssyncset.done $0x0  }
0x5b: {  	[sflag:s2] =	ssyncadd.s32 $0xFFFF8000  }
0x5c: {  	[hbm4b:s13+s3] =	stream.linear.scatter [tilespmem:s30], [sflag:$0x4], $0x8000, $0x38;
	[tilespmem:$0x14000] =	vst v63  }
0x5d: {  	_ =	swait.ge [sflag:s4], $0x8000  }
0x5e: {  	[sflag:s4] =	ssyncset.done $0x0  }
0x5f: {  	s24 =	simm.s32 $0x900;
	[sflag:s4] =	ssyncadd.s32 $0xFFFF8000  }
0x60: {  	[tilespmem:s30], [sflag:$0x2] =	stream.indirect.gather [hbm4b:s1+s28], $0x80, s24, s28, $0xb8;
	[tilespmem:$0x14000] =	vst v63  }
0x61: {  	_ =	swait.ge [sflag:s31], $0x8000  }
0x62: {  	[sflag:s31] =	ssyncset.done $0x0  }
0x63: {  	[sflag:s31] =	ssyncadd.s32 $0xFFFF8000  }
0x64: {  	[hbm4b:s14+s3] =	stream.linear.scatter [tilespmem:s29], [sflag:$0x3], $0x8000, $0x38;
	[tilespmem:$0x14000] =	vst v63  }
0x65: {  	_ =	swait.ge [sflag:s0], $0x8000  }
0x66: {  	[sflag:s0] =	ssyncset.done $0x0  }
0x67: {  	s9 =	simm.s32 $0xA00;
	[sflag:s0] =	ssyncadd.s32 $0xFFFF8000  }
0x68: {  	[tilespmem:s29], [sflag:$0x1] =	stream.indirect.gather [hbm4b:s1+s28], $0x80, s9, s28, $0xb8;
	[tilespmem:$0x14000] =	vst v63  }
0x69: {  	_ =	swait.ge [sflag:s2], $0x8000  }
0x6a: {  	[sflag:s2] =	ssyncset.done $0x0  }
0x6b: {  	[sflag:s2] =	ssyncadd.s32 $0xFFFF8000  }
0x6c: {  	[hbm4b:s15+s3] =	stream.linear.scatter [tilespmem:s30], [sflag:$0x4], $0x8000, $0x38;
	[tilespmem:$0x14000] =	vst v63  }
0x6d: {  	_ =	swait.ge [sflag:s4], $0x8000  }
0x6e: {  	[sflag:s4] =	ssyncset.done $0x0  }
0x6f: {  	s11 =	simm.s32 $0xB00;
	[sflag:s4] =	ssyncadd.s32 $0xFFFF8000  }
0x70: {  	[tilespmem:s30], [sflag:$0x2] =	stream.indirect.gather [hbm4b:s1+s28], $0x80, s11, s28, $0xb8;
	[tilespmem:$0x14000] =	vst v63  }
0x71: {  	_ =	swait.ge [sflag:s31], $0x8000  }
0x72: {  	[sflag:s31] =	ssyncset.done $0x0  }
0x73: {  	[sflag:s31] =	ssyncadd.s32 $0xFFFF8000  }
0x74: {  	[hbm4b:s16+s3] =	stream.linear.scatter [tilespmem:s29], [sflag:$0x3], $0x8000, $0x38;
	[tilespmem:$0x14000] =	vst v63  }
0x75: {  	_ =	swait.ge [sflag:s0], $0x8000  }
0x76: {  	[sflag:s0] =	ssyncset.done $0x0  }
0x77: {  	s24 =	simm.s32 $0xC00;
	[sflag:s0] =	ssyncadd.s32 $0xFFFF8000  }
0x78: {  	[tilespmem:s29], [sflag:$0x1] =	stream.indirect.gather [hbm4b:s1+s28], $0x80, s24, s28, $0xb8;
	[tilespmem:$0x14000] =	vst v63  }
0x79: {  	_ =	swait.ge [sflag:s2], $0x8000  }
0x7a: {  	[sflag:s2] =	ssyncset.done $0x0  }
0x7b: {  	[sflag:s2] =	ssyncadd.s32 $0xFFFF8000  }
0x7c: {  	[hbm4b:s17+s3] =	stream.linear.scatter [tilespmem:s30], [sflag:$0x4], $0x8000, $0x38;
	[tilespmem:$0x14000] =	vst v63  }
0x7d: {  	_ =	swait.ge [sflag:s4], $0x8000  }
0x7e: {  	[sflag:s4] =	ssyncset.done $0x0  }
0x7f: {  	s9 =	simm.s32 $0xD00;
	[sflag:s4] =	ssyncadd.s32 $0xFFFF8000  }
0x80: {  	[tilespmem:s30], [sflag:$0x2] =	stream.indirect.gather [hbm4b:s1+s28], $0x80, s9, s28, $0xb8;
	[tilespmem:$0x14000] =	vst v63  }
0x81: {  	_ =	swait.ge [sflag:s31], $0x8000  }
0x82: {  	[sflag:s31] =	ssyncset.done $0x0  }
0x83: {  	[sflag:s31] =	ssyncadd.s32 $0xFFFF8000  }
0x84: {  	[hbm4b:s18+s3] =	stream.linear.scatter [tilespmem:s29], [sflag:$0x3], $0x8000, $0x38;
	[tilespmem:$0x14000] =	vst v63  }
0x85: {  	_ =	swait.ge [sflag:s0], $0x8000  }
0x86: {  	[sflag:s0] =	ssyncset.done $0x0  }
0x87: {  	s11 =	simm.s32 $0xE00;
	[sflag:s0] =	ssyncadd.s32 $0xFFFF8000  }
0x88: {  	[tilespmem:s29], [sflag:$0x1] =	stream.indirect.gather [hbm4b:s1+s28], $0x80, s11, s28, $0xb8;
	[tilespmem:$0x14000] =	vst v63  }
0x89: {  	_ =	swait.ge [sflag:s2], $0x8000  }
0x8a: {  	[sflag:s2] =	ssyncset.done $0x0  }
0x8b: {  	[sflag:s2] =	ssyncadd.s32 $0xFFFF8000  }
0x8c: {  	[hbm4b:s19+s3] =	stream.linear.scatter [tilespmem:s30], [sflag:$0x4], $0x8000, $0x38;
	[tilespmem:$0x14000] =	vst v63  }
0x8d: {  	_ =	swait.ge [sflag:s4], $0x8000  }
0x8e: {  	[sflag:s4] =	ssyncset.done $0x0  }
0x8f: {  	s24 =	simm.s32 $0xF00;
	[sflag:s4] =	ssyncadd.s32 $0xFFFF8000  }
0x90: {  	[tilespmem:s30], [sflag:$0x2] =	stream.indirect.gather [hbm4b:s1+s28], $0x80, s24, s28, $0xb8;
	[tilespmem:$0x14000] =	vst v63  }
0x91: {  	_ =	swait.ge [sflag:s31], $0x8000  }
0x92: {  	[sflag:s31] =	ssyncset.done $0x0  }
0x93: {  	[sflag:s31] =	ssyncadd.s32 $0xFFFF8000  }
0x94: {  	[hbm4b:s20+s3] =	stream.linear.scatter [tilespmem:s29], [sflag:$0x3], $0x8000, $0x38;
	[tilespmem:$0x14000] =	vst v63  }
0x95: {  	_ =	swait.ge [sflag:s2], $0x8000  }
0x96: {  	[sflag:s2] =	ssyncset.done $0x0  }
0x97: {  	[sflag:s2] =	ssyncadd.s32 $0xFFFF8000  }
0x98: {  	[hbm4b:s21+s3] =	stream.linear.scatter [tilespmem:s30], [sflag:$0x4], $0x8000, $0x38;
	[tilespmem:$0x14000] =	vst v63  }
0x99: {  	_ =	swait.ge [sflag:s6], $0x2000  }
0x9a: {  	[sflag:s6] =	ssyncset.done $0x0  }
0x9b: {  	s8 =	simm.s32 $0x0;
	[sflag:s6] =	ssyncadd.s32 $0xFFFFE000  }
0x9c: {  	v1 =	vld [tilespmem:s8+$0x0];
	_ =	sdelay $0x1  }
0x9d: {  	v0 =	vmov s10;
	_ =	sdelay $0x4  }
0x9e: {  	v0 =	vld.idx.msk [tilespmem:v0+s26+$0x0], $0xffff  }
0x9f: {  	v1 =	vld.idx.msk [tilespmem:v1+s26+$0x0], $0xffff  }
0xa0: {  	s9 =	simm.s32 $0x10;
	s11 =	simm.s32 $0x80;
	s24 =	smov.u32 s10  }
.LBB2_2:
0xa1: {  	p0 =	sne.s32 s11, $0x3FC0;
	v2 =	vld [tilespmem:s9+$0x0]  }
0xa2: {  	s24 =	sadd.s32 $0x1, s24  }
0xa3: {  	v3 =	vmov s24  }
0xa4: {  	v0 =	vsub.f32 v1, v0;
	_ =	sdelay $0x1  }
0xa5: {  	v0 =	vand.u32 $0x7FFFFFFF, v0  }
.Ltmp0:
0xa6: {  	[tilespmem:s8+$0x13000] =	vst v0;
	s8 =	smov.u32 s9;
	(pc) =	sbr.rel @p0 .LBB2_2-.Ltmp0, $3  }
0xa7: {  	v0 =	vld.idx.msk [tilespmem:v3+s26+$0x0], $0xffff  }
0xa8: {  	v1 =	vld.idx.msk [tilespmem:v2+s26+$0x0], $0xffff;
	_ =	sdelay $0x1  }
0xa9: {  	s9 =	sshra.s32 s11, $0x2;
	s11 =	sadd.s32 $0x40, s11  }
0xaa: {  	v2 =	vld [tilespmem:s9+$0x0]  }
0xab: {  	s11 =	sadd.s32 $0x1, s24  }
0xac: {  	v3 =	vmov s11  }
0xad: {  	v0 =	vsub.f32 v1, v0;
	_ =	sdelay $0x1  }
0xae: {  	v0 =	vand.u32 $0x7FFFFFFF, v0  }
0xaf: {  	[tilespmem:s8+$0x13000] =	vst v0  }
0xb0: {  	v0 =	vld.idx.msk [tilespmem:v3+s26+$0x0], $0xffff  }
0xb1: {  	v63 =	vld.idx.msk [tilespmem:v2+s26+$0x0], $0xffff;
	_ =	sdelay $0x4  }
0xb2: {  	v0 =	vsub.f32 v63, v0;
	_ =	sdelay $0x1  }
0xb3: {  	v0 =	vand.u32 $0x7FFFFFFF, v0  }
0xb4: {  	s24 =	simm.s32 $0x13000;
	[tilespmem:s9+$0x13000] =	vst v0  }
0xb5: {  	[hbm4b:s22+s3] =	stream.linear.scatter [tilespmem:s24], [sflag:$0x6], $0x1000, $0x38;
	[tilespmem:$0x14000] =	vst v63  }
0xb6: {  	_ =	swait.ge [sflag:s25], $0x1000  }
0xb7: {  	[sflag:s25] =	ssyncset.done $0x0  }
0xb8: {  	s7 =	sadd.s32 $0x1, s7;
	[sflag:s25] =	ssyncadd.s32 $0xFFFFF000  }
0xb9: {  	p0 =	sne.s32 s7, s23;
	_ =	swait.ge [sflag:s0], $0x8000  }
.Ltmp1:
0xba: {  	[sflag:s0] =	ssyncset.done $0x0;
	(pc) =	sbr.rel @p0 .LBB2_1-.Ltmp1, $4  }
0xbb: {  	[sflag:s0] =	ssyncadd.s32 $0xFFFF8000  }
0xbc: {  	_ =	swait.ge [sflag:s4], $0x8000  }
0xbd: {  	[sflag:s4] =	ssyncset.done $0x0  }
0xbe: {  	[sflag:s4] =	ssyncadd.s32 $0xFFFF8000  }
0xbf: {  	_ =	sfence.sel $0x180000  }
0xc0: {  	[bflag:$0x0] =	sbarrier.arrive $0xFFFF  }
0xc1: {  	_ =	strace $0x90000047  }
0xc2: {  	s0 =	stileid.u32;
	[bflag:$0x2] =	sbarrier.arrive $0xFFFF  }
0xc3: {  	p0 =	sne.s32 s0, $0x0;
	s0 =	rddreg [dreg:$0x4]  }
0xc4: {  	s0 =	sadd.s32 @!p0 $0x100000, s0  }
0xc5: {  	[sflag:s0] =	ssyncadd.tile.s32 @!p0 $0x1;
	_ =	shalt  }
.Lfunc_end2:
_tile_overlayer_lowered:
.L_overlay_start_2:
0xc6: {  	(tag) =	ssettag $0x2  }
0xc7: {  	s0 =	rddreg [dreg:$0x0];
	s2 =	stileid.u32  }
0xc8: {  	s1 =	rddreg [dreg:$0x1];
	p0 =	sne.s32 s2, $0x0  }
0xc9: {  	s3 =	rddreg [dreg:$0x2];
	[bflag:$0x3] =	sbarrier.arrive $0xFFFF;
	s2 =	simm.s32 @!p0 $0x1C06  }
0xca: {  	[timem:s3], [sflag:s2] =	dma.local @!p0 [hbm:s0], s1  }
0xcb: {  	s0 =	simm.s32 @!p0 $0x6  }
0xcc: {  	_ =	swait.ge @!p0 [sflag:s0], s1  }
0xcd: {  	s1 =	ssub.s32 @!p0 $0x0, s1;
	[sflag:s0] =	ssyncset.done @!p0 $0x0  }
0xce: {  	[sflag:s0] =	ssyncadd.s32 @!p0 s1  }
0xcf: {  	[bflag:$0x3] =	sbarrier.arrive $0xFFFF  }
0xd0: {  	_ =	shalt  }

</sc_bundles>
